<compile_context>
chip_gen: v7x
topology: tpu7x:2x2x1
jax: 0.10.2.dev20260603
libtpu: 0.0.44.dev20260713+nightly
codegen_flags: <defaults>
</compile_context>

<pallas_src>
import jax
import jax.numpy as jnp
import numpy as np
from jax import lax
from jax.experimental import pallas as pl
from jax.experimental.pallas import tpu as pltpu
from jax.experimental.pallas import tpu_sc as plsc

NUM_USERS = 100000
NUM_ITEMS = 100000
EMBED = 64
EW = EMBED // 2
B = 4096
HIST = 50
HIST_PAD = 56
HIST_COLS = 64

NC = 2
NS = 16
NW = NC * NS
NPW = B // NW

NBUF = 8

PERM = np.concatenate([np.arange(0, 16), np.arange(32, 48),
                       np.arange(16, 32), np.arange(48, 64)])


def _sc_body(v2e_hbm, nodes_hbm, tgt_hbm, hist_hbm,
             tgt_out, neigh_out,
             nodes_v, tgtidx_v, hist_v, tgtrows_v, neigh_v,
             rows_bufs, s0, s1, s2, s3, s4, s5, s6, s7,
             sem_tgt, sem_hist):
    sems = [s0, s1, s2, s3, s4, s5, s6, s7]
    wid = lax.axis_index("s") * NC + lax.axis_index("c")
    base = wid * NPW

    pltpu.sync_copy(nodes_hbm.at[pl.ds(base, NPW)], nodes_v)
    pltpu.sync_copy(tgt_hbm.at[pl.ds(base, NPW)], tgtidx_v)

    c_tgt = pltpu.async_copy(v2e_hbm.at[tgtidx_v], tgtrows_v, sem_tgt)
    pltpu.async_copy(hist_hbm.at[nodes_v], hist_v, sem_hist).wait()

    def idx_ref(n):
        nn = jnp.minimum(n, NPW - 1)
        return v2e_hbm.at[hist_v.at[nn, pl.ds(0, HIST_PAD)]]

    for k in range(NBUF):
        pltpu.async_copy(idx_ref(k), rows_bufs.at[k], sems[k])

    m = jnp.full((16,), -65536, jnp.int32)

    def group_body(g, carry):
        for k in range(NBUF):
            n = g * NBUF + k
            buf = rows_bufs.at[k]
            pltpu.make_async_copy(idx_ref(n), buf, sems[k]).wait()

            def acc_body(j, accs):
                a0, a1, a2, a3 = accs
                x0 = rows_bufs[k, j, pl.ds(0, 16)]
                x1 = rows_bufs[k, j, pl.ds(16, 16)]
                b0 = a0 + lax.bitcast_convert_type(x0 << 16, jnp.float32)
                b1 = a1 + lax.bitcast_convert_type(x0 & m, jnp.float32)
                b2 = a2 + lax.bitcast_convert_type(x1 << 16, jnp.float32)
                b3 = a3 + lax.bitcast_convert_type(x1 & m, jnp.float32)
                return (b0, b1, b2, b3)

            z = jnp.zeros((16,), jnp.float32)
            a0, a1, a2, a3 = lax.fori_loop(0, HIST, acc_body, (z, z, z, z))
            neigh_v[n, pl.ds(0, 16)] = a0
            neigh_v[n, pl.ds(16, 16)] = a1
            neigh_v[n, pl.ds(32, 16)] = a2
            neigh_v[n, pl.ds(48, 16)] = a3
            pltpu.async_copy(idx_ref(n + NBUF), buf, sems[k])
        return carry

    lax.fori_loop(0, NPW // NBUF, group_body, 0)
    for k in range(NBUF):
        pltpu.make_async_copy(idx_ref(0), rows_bufs.at[k], sems[k]).wait()

    c_tgt.wait()
    pltpu.sync_copy(tgtrows_v, tgt_out.at[pl.ds(base, NPW)])
    pltpu.sync_copy(neigh_v, neigh_out.at[pl.ds(base, NPW)])


def _sc_self_body(u2e_hbm, nodes_hbm, self_out, nodes_v, self_v, sem):
    wid = lax.axis_index("s") * NC + lax.axis_index("c")
    base = wid * NPW
    pltpu.sync_copy(nodes_hbm.at[pl.ds(base, NPW)], nodes_v)
    pltpu.async_copy(u2e_hbm.at[nodes_v], self_v, sem).wait()
    pltpu.sync_copy(self_v, self_out.at[pl.ds(base, NPW)])


@jax.jit
def _sc_gather(v2e_i, nodes, nodes_target, histp):
    mesh = plsc.VectorSubcoreMesh(core_axis_name="c", subcore_axis_name="s")
    f32 = jnp.float32
    i32 = jnp.int32
    out_type = (jax.ShapeDtypeStruct((B, EW), i32),
                jax.ShapeDtypeStruct((B, EMBED), f32))
    scratch = [
        pltpu.VMEM((NPW,), i32),
        pltpu.VMEM((NPW,), i32),
        pltpu.VMEM((NPW, HIST_COLS), i32),
        pltpu.VMEM((NPW, EW), i32),
        pltpu.VMEM((NPW, EMBED), f32),
        pltpu.VMEM((NBUF, HIST_PAD, EW), i32),
    ] + [pltpu.SemaphoreType.DMA] * (NBUF + 2)
    return pl.kernel(
        _sc_body,
        out_type=out_type,
        mesh=mesh,
        scratch_types=scratch,
        compiler_params=pltpu.CompilerParams(use_tc_tiling_on_sc=False),
    )(v2e_i, nodes, nodes_target, histp)


@jax.jit
def _sc_gather_self(u2e_i, nodes):
    mesh = plsc.VectorSubcoreMesh(core_axis_name="c", subcore_axis_name="s")
    i32 = jnp.int32
    return pl.kernel(
        _sc_self_body,
        out_type=jax.ShapeDtypeStruct((B, EW), i32),
        mesh=mesh,
        scratch_types=[pltpu.VMEM((NPW,), i32),
                       pltpu.VMEM((NPW, EW), i32),
                       pltpu.SemaphoreType.DMA],
        compiler_params=pltpu.CompilerParams(use_tc_tiling_on_sc=False),
    )(u2e_i, nodes)


def _tc_body(self_ref, tgt_ref, neigh_ref, w1_ref, wbp_ref, b1_ref, out_ref):
    w = w1_ref[...]
    wbp = wbp_ref[...]
    b = b1_ref[...]

    def unpack(x):
        lo = lax.bitcast_convert_type(x << 16, jnp.float32)
        hi = lax.bitcast_convert_type(x & jnp.int32(-65536), jnp.float32)
        return jnp.concatenate([lo, hi], axis=1)

    cf = jnp.concatenate([unpack(self_ref[...]), unpack(tgt_ref[...])], axis=1)
    h1 = lax.dot_general(cf, w, (((1,), (1,)), ((), ())),
                         preferred_element_type=jnp.float32)
    h1 = jnp.maximum(h1 + b, 0.0)
    neigh = neigh_ref[...] * (1.0 / HIST)
    h2 = (lax.dot_general(h1, w[:, :EMBED], (((1,), (1,)), ((), ())),
                          preferred_element_type=jnp.float32)
          + lax.dot_general(neigh, wbp, (((1,), (1,)), ((), ())),
                            preferred_element_type=jnp.float32))
    out_ref[...] = jnp.maximum(h2 + b, 0.0)


@jax.jit
def _tc_mlp(self_i, tgt_i, neigh_sum, W1, Wbp, b1):
    return pl.pallas_call(
        _tc_body,
        out_shape=jax.ShapeDtypeStruct((B, EMBED), jnp.float32),
    )(self_i, tgt_i, neigh_sum, W1, Wbp, b1.reshape(1, EMBED))


def kernel(u2e, v2e, W1, b1, nodes, nodes_target, history_u, uv):
    del uv
    nodes = nodes.astype(jnp.int32)
    nodes_target = nodes_target.astype(jnp.int32)
    history_u = history_u.astype(jnp.int32)
    histp = jnp.pad(history_u, ((0, 0), (0, HIST_COLS - HIST)))
    def pack(t):
        tb = t.astype(jnp.bfloat16)
        lo = lax.bitcast_convert_type(tb[:, :EW], jnp.uint16).astype(jnp.uint32)
        hi = lax.bitcast_convert_type(tb[:, EW:], jnp.uint16).astype(jnp.uint32)
        return lax.bitcast_convert_type(lo | (hi << 16), jnp.int32)

    v2e_i = pack(v2e)
    tgt_i, neigh_sum = _sc_gather(v2e_i, nodes, nodes_target, histp)
    u2e_i = pack(u2e)
    self_i = _sc_gather_self(u2e_i, nodes)
    Wbp = W1[:, EMBED + PERM]
    return _tc_mlp(self_i, tgt_i, neigh_sum, W1, Wbp, b1)

# --- scband reference (transcript-rebuilt; emitter-appended) ---
"""Pipeline reference for scband-uv-encoder-48765058678796 (READ-ONLY COPY).

The authoritative reference and input builder live on the scoring server;
editing this copy changes nothing except your own understanding.
"""

import jax, jax.numpy as jnp
import numpy as np

NUM_USERS = 100000
NUM_ITEMS = 100000
EMBED = 64
B = 4096
HIST = 50


def setup_inputs(seed: int = 0) -> dict:
    key = jax.random.key(seed)
    ks = jax.random.split(key, 8)
    u2e = jax.random.normal(ks[0], (NUM_USERS, EMBED), dtype=jnp.float32) * 0.1
    v2e = jax.random.normal(ks[1], (NUM_ITEMS, EMBED), dtype=jnp.float32) * 0.1
    # linear1: nn.Linear(2*embed_dim, embed_dim); torch layout [out, in]
    W1 = jax.random.normal(ks[2], (EMBED, 2 * EMBED), dtype=jnp.float32) * (1.0 / np.sqrt(2 * EMBED))
    b1 = jnp.zeros((EMBED,), dtype=jnp.float32)
    nodes = jax.random.randint(ks[3], (B,), 0, NUM_USERS, dtype=jnp.int64 if jax.config.jax_enable_x64 else jnp.int32)
    nodes_target = jax.random.randint(ks[4], (B,), 0, NUM_ITEMS, dtype=jnp.int64 if jax.config.jax_enable_x64 else jnp.int32)
    history_u = jax.random.randint(ks[5], (NUM_USERS, HIST), 0, NUM_ITEMS, dtype=jnp.int64 if jax.config.jax_enable_x64 else jnp.int32)
    return {
        "u2e": u2e,
        "v2e": v2e,
        "W1": W1,
        "b1": b1,
        "nodes": nodes,
        "nodes_target": nodes_target,
        "history_u": history_u,
        "uv": False,
    }


def reference(u2e, v2e, W1, b1, nodes, nodes_target, history_u, uv):
    # uv == False branch of UV_Encoder.forward (user-side encoding).
    # self_feats = u2e.weight[nodes]; target_feats = v2e.weight[nodes_target]
    self_feats = jnp.take(u2e, nodes, axis=0)
    target_feats = jnp.take(v2e, nodes_target, axis=0)
    sf = jnp.concatenate([self_feats, target_feats], axis=1)
    self_feats = jax.nn.relu(sf @ W1.T + b1)
    # aggregator.forward over per-node interaction history (padded to HIST):
    # mean of v2e embeddings of historical items for each user node.
    hist = jnp.take(history_u, nodes, axis=0)  # [B, HIST]
    neigh_emb = jnp.take(v2e, hist.reshape(-1), axis=0).reshape(nodes.shape[0], HIST, EMBED)
    neigh_feats = jnp.mean(neigh_emb, axis=1)  # [B, EMBED]
    combined = jnp.concatenate([self_feats, neigh_feats], axis=-1)  # [B, 2*EMBED]
    combined = jax.nn.relu(combined @ W1.T + b1)  # linear1 reused
    return combined

if __name__ == "__main__":
    import jax
    _d = setup_inputs()
    print(jax.jit(kernel)(*tuple(_d.values())))

</pallas_src>

<mosaic_0001>
#map = affine_map<(d0, d1) -> (0, 0)>
#map1 = affine_map<(d0, d1) -> (0)>
module attributes {stable_mosaic.version = 14 : i64} {
  func.func @_sc_body(%arg0: i32, %arg1: i32, %arg2: memref<100000x32xi32, #tpu.memory_space<hbm>>, %arg3: memref<4096xi32, #tpu.memory_space<hbm>>, %arg4: memref<4096xi32, #tpu.memory_space<hbm>>, %arg5: memref<100000x64xi32, #tpu.memory_space<hbm>>, %arg6: memref<4096x32xi32, #tpu.memory_space<hbm>>, %arg7: memref<4096x64xf32, #tpu.memory_space<hbm>>, %arg8: memref<128xi32, #tpu.memory_space<vmem>>, %arg9: memref<128xi32, #tpu.memory_space<vmem>>, %arg10: memref<128x64xi32, #tpu.memory_space<vmem>>, %arg11: memref<128x32xi32, #tpu.memory_space<vmem>>, %arg12: memref<128x64xf32, #tpu.memory_space<vmem>>, %arg13: memref<8x56x32xi32, #tpu.memory_space<vmem>>, %arg14: memref<!tpu.dma_semaphore, #tpu.memory_space<semaphore_mem>>, %arg15: memref<!tpu.dma_semaphore, #tpu.memory_space<semaphore_mem>>, %arg16: memref<!tpu.dma_semaphore, #tpu.memory_space<semaphore_mem>>, %arg17: memref<!tpu.dma_semaphore, #tpu.memory_space<semaphore_mem>>, %arg18: memref<!tpu.dma_semaphore, #tpu.memory_space<semaphore_mem>>, %arg19: memref<!tpu.dma_semaphore, #tpu.memory_space<semaphore_mem>>, %arg20: memref<!tpu.dma_semaphore, #tpu.memory_space<semaphore_mem>>, %arg21: memref<!tpu.dma_semaphore, #tpu.memory_space<semaphore_mem>>, %arg22: memref<!tpu.dma_semaphore, #tpu.memory_space<semaphore_mem>>, %arg23: memref<!tpu.dma_semaphore, #tpu.memory_space<semaphore_mem>>) attributes {dimension_semantics = [#tpu.dimension_semantics<core_parallel>, #tpu.dimension_semantics<subcore_parallel>], iteration_bounds = array<i64: 2, 16>, scalar_prefetch = 0 : i64, scratch_operands = 16 : i64, tpu.core_type = #tpu.core_type<sc_vector_subcore>, window_params = [{transform_indices = #map}, {transform_indices = #map1}, {transform_indices = #map1}, {transform_indices = #map}, {transform_indices = #map}, {transform_indices = #map}]} {
    %mul3A = arith.constant 2 : i32
    %mul3A_0 = arith.muli %arg1, %mul3A : i32
    %add3A = arith.addi %mul3A_0, %arg0 : i32
    %mul3A_1 = arith.constant 128 : i32
    %mul3A_2 = arith.muli %add3A, %mul3A_1 : i32
    "tpu.region"() ({
      %run_scoped3A = tpu.sem_alloc : memref<!tpu.dma_semaphore, #tpu.memory_space<semaphore_mem>>
      %dma_start3A_242 = tpu.memref_slice %arg3[%mul3A_2] : memref<4096xi32, #tpu.memory_space<hbm>> -> memref<128xi32, #tpu.memory_space<hbm>>
      %dma_start3A_243 = tpu.memref_slice %arg3[%mul3A_2] : memref<4096xi32, #tpu.memory_space<hbm>> -> memref<128xi32, #tpu.memory_space<hbm>>
      tpu.enqueue_dma source(%dma_start3A_243 : memref<128xi32, #tpu.memory_space<hbm>>) target(%arg8 : memref<128xi32, #tpu.memory_space<vmem>>) target_semaphore(%run_scoped3A : memref<!tpu.dma_semaphore, #tpu.memory_space<semaphore_mem>>)
      %dma_wait3A_244 = tpu.memref_slice %arg3[%mul3A_2] : memref<4096xi32, #tpu.memory_space<hbm>> -> memref<128xi32, #tpu.memory_space<hbm>>
      %dma_wait3A_245 = tpu.memref_slice %arg3[%mul3A_2] : memref<4096xi32, #tpu.memory_space<hbm>> -> memref<128xi32, #tpu.memory_space<hbm>>
      tpu.wait_dma2 semaphore(%run_scoped3A : memref<!tpu.dma_semaphore, #tpu.memory_space<semaphore_mem>>) src(%dma_wait3A_245 : memref<128xi32, #tpu.memory_space<hbm>>) dst(%arg8 : memref<128xi32, #tpu.memory_space<vmem>>)
      tpu.yield
    }) : () -> ()
    "tpu.region"() ({
      %run_scoped3A = tpu.sem_alloc : memref<!tpu.dma_semaphore, #tpu.memory_space<semaphore_mem>>
      %dma_start3A_242 = tpu.memref_slice %arg4[%mul3A_2] : memref<4096xi32, #tpu.memory_space<hbm>> -> memref<128xi32, #tpu.memory_space<hbm>>
      %dma_start3A_243 = tpu.memref_slice %arg4[%mul3A_2] : memref<4096xi32, #tpu.memory_space<hbm>> -> memref<128xi32, #tpu.memory_space<hbm>>
      tpu.enqueue_dma source(%dma_start3A_243 : memref<128xi32, #tpu.memory_space<hbm>>) target(%arg9 : memref<128xi32, #tpu.memory_space<vmem>>) target_semaphore(%run_scoped3A : memref<!tpu.dma_semaphore, #tpu.memory_space<semaphore_mem>>)
      %dma_wait3A_244 = tpu.memref_slice %arg4[%mul3A_2] : memref<4096xi32, #tpu.memory_space<hbm>> -> memref<128xi32, #tpu.memory_space<hbm>>
      %dma_wait3A_245 = tpu.memref_slice %arg4[%mul3A_2] : memref<4096xi32, #tpu.memory_space<hbm>> -> memref<128xi32, #tpu.memory_space<hbm>>
      tpu.wait_dma2 semaphore(%run_scoped3A : memref<!tpu.dma_semaphore, #tpu.memory_space<semaphore_mem>>) src(%dma_wait3A_245 : memref<128xi32, #tpu.memory_space<hbm>>) dst(%arg9 : memref<128xi32, #tpu.memory_space<vmem>>)
      tpu.yield
    }) : () -> ()
    %dma_start3A = arith.constant 0 : i32
    %dma_start3A_3 = arith.constant 0 : i32
    %dma_start3A_4 = tpu.memref_slice %arg2[%dma_start3A, %dma_start3A_3] : memref<100000x32xi32, #tpu.memory_space<hbm>> -> memref<100000x32xi32, #tpu.memory_space<hbm>>
    tpu.enqueue_indirect_dma source(%dma_start3A_4 : memref<100000x32xi32, #tpu.memory_space<hbm>>) target(%arg11 : memref<128x32xi32, #tpu.memory_space<vmem>>) offsets(%arg9 : memref<128xi32, #tpu.memory_space<vmem>>) semaphore(%arg22 : memref<!tpu.dma_semaphore, #tpu.memory_space<semaphore_mem>>)
    %dma_start3A_5 = arith.constant 0 : i32
    %dma_start3A_6 = arith.constant 0 : i32
    %dma_start3A_7 = tpu.memref_slice %arg5[%dma_start3A_5, %dma_start3A_6] : memref<100000x64xi32, #tpu.memory_space<hbm>> -> memref<100000x64xi32, #tpu.memory_space<hbm>>
    tpu.enqueue_indirect_dma source(%dma_start3A_7 : memref<100000x64xi32, #tpu.memory_space<hbm>>) target(%arg10 : memref<128x64xi32, #tpu.memory_space<vmem>>) offsets(%arg8 : memref<128xi32, #tpu.memory_space<vmem>>) semaphore(%arg23 : memref<!tpu.dma_semaphore, #tpu.memory_space<semaphore_mem>>)
    %dma_wait3A = arith.constant 0 : i32
    %dma_wait3A_8 = arith.constant 0 : i32
    %dma_wait3A_9 = tpu.memref_slice %arg5[%dma_wait3A, %dma_wait3A_8] : memref<100000x64xi32, #tpu.memory_space<hbm>> -> memref<100000x64xi32, #tpu.memory_space<hbm>>
    tpu.wait_indirect_dma semaphore(%arg23 : memref<!tpu.dma_semaphore, #tpu.memory_space<semaphore_mem>>) src(%dma_wait3A_9 : memref<100000x64xi32, #tpu.memory_space<hbm>>) dst(%arg10 : memref<128x64xi32, #tpu.memory_space<vmem>>)
    %min3A = arith.constant 0 : i32
    %min3A_10 = arith.constant 127 : i32
    %min3A_11 = arith.minsi %min3A, %min3A_10 : i32
    %dma_start3A_12 = arith.constant 0 : i32
    %dma_start3A_13 = arith.constant 0 : i32
    %dma_start3A_14 = arith.constant 0 : i32
    %dma_start3A_15 = tpu.memref_slice %arg13[%dma_start3A_12, %dma_start3A_13, %dma_start3A_14] : memref<8x56x32xi32, #tpu.memory_space<vmem>> -> memref<1x56x32xi32, #tpu.memory_space<vmem>>
    %dma_start3A_16 = tpu.memref_squeeze %dma_start3A_15 : memref<1x56x32xi32, #tpu.memory_space<vmem>> -> memref<56x32xi32, #tpu.memory_space<vmem>>
    %dma_start3A_17 = arith.constant 0 : i32
    %dma_start3A_18 = tpu.memref_slice %arg10[%min3A_11, %dma_start3A_17] : memref<128x64xi32, #tpu.memory_space<vmem>> -> memref<1x56xi32, #tpu.memory_space<vmem>>
    %dma_start3A_19 = tpu.memref_squeeze %dma_start3A_18 : memref<1x56xi32, #tpu.memory_space<vmem>> -> memref<56xi32, #tpu.memory_space<vmem>>
    %dma_start3A_20 = arith.constant 0 : i32
    %dma_start3A_21 = arith.constant 0 : i32
    %dma_start3A_22 = tpu.memref_slice %arg2[%dma_start3A_20, %dma_start3A_21] : memref<100000x32xi32, #tpu.memory_space<hbm>> -> memref<100000x32xi32, #tpu.memory_space<hbm>>
    tpu.enqueue_indirect_dma source(%dma_start3A_22 : memref<100000x32xi32, #tpu.memory_space<hbm>>) target(%dma_start3A_16 : memref<56x32xi32, #tpu.memory_space<vmem>>) offsets(%dma_start3A_19 : memref<56xi32, #tpu.memory_space<vmem>>) semaphore(%arg14 : memref<!tpu.dma_semaphore, #tpu.memory_space<semaphore_mem>>)
    %min3A_23 = arith.constant 1 : i32
    %min3A_24 = arith.constant 127 : i32
    %min3A_25 = arith.minsi %min3A_23, %min3A_24 : i32
    %dma_start3A_26 = arith.constant 1 : i32
    %dma_start3A_27 = arith.constant 0 : i32
    %dma_start3A_28 = arith.constant 0 : i32
    %dma_start3A_29 = tpu.memref_slice %arg13[%dma_start3A_26, %dma_start3A_27, %dma_start3A_28] : memref<8x56x32xi32, #tpu.memory_space<vmem>> -> memref<1x56x32xi32, #tpu.memory_space<vmem>>
    %dma_start3A_30 = tpu.memref_squeeze %dma_start3A_29 : memref<1x56x32xi32, #tpu.memory_space<vmem>> -> memref<56x32xi32, #tpu.memory_space<vmem>>
    %dma_start3A_31 = arith.constant 0 : i32
    %dma_start3A_32 = tpu.memref_slice %arg10[%min3A_25, %dma_start3A_31] : memref<128x64xi32, #tpu.memory_space<vmem>> -> memref<1x56xi32, #tpu.memory_space<vmem>>
    %dma_start3A_33 = tpu.memref_squeeze %dma_start3A_32 : memref<1x56xi32, #tpu.memory_space<vmem>> -> memref<56xi32, #tpu.memory_space<vmem>>
    %dma_start3A_34 = arith.constant 0 : i32
    %dma_start3A_35 = arith.constant 0 : i32
    %dma_start3A_36 = tpu.memref_slice %arg2[%dma_start3A_34, %dma_start3A_35] : memref<100000x32xi32, #tpu.memory_space<hbm>> -> memref<100000x32xi32, #tpu.memory_space<hbm>>
    tpu.enqueue_indirect_dma source(%dma_start3A_36 : memref<100000x32xi32, #tpu.memory_space<hbm>>) target(%dma_start3A_30 : memref<56x32xi32, #tpu.memory_space<vmem>>) offsets(%dma_start3A_33 : memref<56xi32, #tpu.memory_space<vmem>>) semaphore(%arg15 : memref<!tpu.dma_semaphore, #tpu.memory_space<semaphore_mem>>)
    %min3A_37 = arith.constant 2 : i32
    %min3A_38 = arith.constant 127 : i32
    %min3A_39 = arith.minsi %min3A_37, %min3A_38 : i32
    %dma_start3A_40 = arith.constant 2 : i32
    %dma_start3A_41 = arith.constant 0 : i32
    %dma_start3A_42 = arith.constant 0 : i32
    %dma_start3A_43 = tpu.memref_slice %arg13[%dma_start3A_40, %dma_start3A_41, %dma_start3A_42] : memref<8x56x32xi32, #tpu.memory_space<vmem>> -> memref<1x56x32xi32, #tpu.memory_space<vmem>>
    %dma_start3A_44 = tpu.memref_squeeze %dma_start3A_43 : memref<1x56x32xi32, #tpu.memory_space<vmem>> -> memref<56x32xi32, #tpu.memory_space<vmem>>
    %dma_start3A_45 = arith.constant 0 : i32
    %dma_start3A_46 = tpu.memref_slice %arg10[%min3A_39, %dma_start3A_45] : memref<128x64xi32, #tpu.memory_space<vmem>> -> memref<1x56xi32, #tpu.memory_space<vmem>>
    %dma_start3A_47 = tpu.memref_squeeze %dma_start3A_46 : memref<1x56xi32, #tpu.memory_space<vmem>> -> memref<56xi32, #tpu.memory_space<vmem>>
    %dma_start3A_48 = arith.constant 0 : i32
    %dma_start3A_49 = arith.constant 0 : i32
    %dma_start3A_50 = tpu.memref_slice %arg2[%dma_start3A_48, %dma_start3A_49] : memref<100000x32xi32, #tpu.memory_space<hbm>> -> memref<100000x32xi32, #tpu.memory_space<hbm>>
    tpu.enqueue_indirect_dma source(%dma_start3A_50 : memref<100000x32xi32, #tpu.memory_space<hbm>>) target(%dma_start3A_44 : memref<56x32xi32, #tpu.memory_space<vmem>>) offsets(%dma_start3A_47 : memref<56xi32, #tpu.memory_space<vmem>>) semaphore(%arg16 : memref<!tpu.dma_semaphore, #tpu.memory_space<semaphore_mem>>)
    %min3A_51 = arith.constant 3 : i32
    %min3A_52 = arith.constant 127 : i32
    %min3A_53 = arith.minsi %min3A_51, %min3A_52 : i32
    %dma_start3A_54 = arith.constant 3 : i32
    %dma_start3A_55 = arith.constant 0 : i32
    %dma_start3A_56 = arith.constant 0 : i32
    %dma_start3A_57 = tpu.memref_slice %arg13[%dma_start3A_54, %dma_start3A_55, %dma_start3A_56] : memref<8x56x32xi32, #tpu.memory_space<vmem>> -> memref<1x56x32xi32, #tpu.memory_space<vmem>>
    %dma_start3A_58 = tpu.memref_squeeze %dma_start3A_57 : memref<1x56x32xi32, #tpu.memory_space<vmem>> -> memref<56x32xi32, #tpu.memory_space<vmem>>
    %dma_start3A_59 = arith.constant 0 : i32
    %dma_start3A_60 = tpu.memref_slice %arg10[%min3A_53, %dma_start3A_59] : memref<128x64xi32, #tpu.memory_space<vmem>> -> memref<1x56xi32, #tpu.memory_space<vmem>>
    %dma_start3A_61 = tpu.memref_squeeze %dma_start3A_60 : memref<1x56xi32, #tpu.memory_space<vmem>> -> memref<56xi32, #tpu.memory_space<vmem>>
    %dma_start3A_62 = arith.constant 0 : i32
    %dma_start3A_63 = arith.constant 0 : i32
    %dma_start3A_64 = tpu.memref_slice %arg2[%dma_start3A_62, %dma_start3A_63] : memref<100000x32xi32, #tpu.memory_space<hbm>> -> memref<100000x32xi32, #tpu.memory_space<hbm>>
    tpu.enqueue_indirect_dma source(%dma_start3A_64 : memref<100000x32xi32, #tpu.memory_space<hbm>>) target(%dma_start3A_58 : memref<56x32xi32, #tpu.memory_space<vmem>>) offsets(%dma_start3A_61 : memref<56xi32, #tpu.memory_space<vmem>>) semaphore(%arg17 : memref<!tpu.dma_semaphore, #tpu.memory_space<semaphore_mem>>)
    %min3A_65 = arith.constant 4 : i32
    %min3A_66 = arith.constant 127 : i32
    %min3A_67 = arith.minsi %min3A_65, %min3A_66 : i32
    %dma_start3A_68 = arith.constant 4 : i32
    %dma_start3A_69 = arith.constant 0 : i32
    %dma_start3A_70 = arith.constant 0 : i32
    %dma_start3A_71 = tpu.memref_slice %arg13[%dma_start3A_68, %dma_start3A_69, %dma_start3A_70] : memref<8x56x32xi32, #tpu.memory_space<vmem>> -> memref<1x56x32xi32, #tpu.memory_space<vmem>>
    %dma_start3A_72 = tpu.memref_squeeze %dma_start3A_71 : memref<1x56x32xi32, #tpu.memory_space<vmem>> -> memref<56x32xi32, #tpu.memory_space<vmem>>
    %dma_start3A_73 = arith.constant 0 : i32
    %dma_start3A_74 = tpu.memref_slice %arg10[%min3A_67, %dma_start3A_73] : memref<128x64xi32, #tpu.memory_space<vmem>> -> memref<1x56xi32, #tpu.memory_space<vmem>>
    %dma_start3A_75 = tpu.memref_squeeze %dma_start3A_74 : memref<1x56xi32, #tpu.memory_space<vmem>> -> memref<56xi32, #tpu.memory_space<vmem>>
    %dma_start3A_76 = arith.constant 0 : i32
    %dma_start3A_77 = arith.constant 0 : i32
    %dma_start3A_78 = tpu.memref_slice %arg2[%dma_start3A_76, %dma_start3A_77] : memref<100000x32xi32, #tpu.memory_space<hbm>> -> memref<100000x32xi32, #tpu.memory_space<hbm>>
    tpu.enqueue_indirect_dma source(%dma_start3A_78 : memref<100000x32xi32, #tpu.memory_space<hbm>>) target(%dma_start3A_72 : memref<56x32xi32, #tpu.memory_space<vmem>>) offsets(%dma_start3A_75 : memref<56xi32, #tpu.memory_space<vmem>>) semaphore(%arg18 : memref<!tpu.dma_semaphore, #tpu.memory_space<semaphore_mem>>)
    %min3A_79 = arith.constant 5 : i32
    %min3A_80 = arith.constant 127 : i32
    %min3A_81 = arith.minsi %min3A_79, %min3A_80 : i32
    %dma_start3A_82 = arith.constant 5 : i32
    %dma_start3A_83 = arith.constant 0 : i32
    %dma_start3A_84 = arith.constant 0 : i32
    %dma_start3A_85 = tpu.memref_slice %arg13[%dma_start3A_82, %dma_start3A_83, %dma_start3A_84] : memref<8x56x32xi32, #tpu.memory_space<vmem>> -> memref<1x56x32xi32, #tpu.memory_space<vmem>>
    %dma_start3A_86 = tpu.memref_squeeze %dma_start3A_85 : memref<1x56x32xi32, #tpu.memory_space<vmem>> -> memref<56x32xi32, #tpu.memory_space<vmem>>
    %dma_start3A_87 = arith.constant 0 : i32
    %dma_start3A_88 = tpu.memref_slice %arg10[%min3A_81, %dma_start3A_87] : memref<128x64xi32, #tpu.memory_space<vmem>> -> memref<1x56xi32, #tpu.memory_space<vmem>>
    %dma_start3A_89 = tpu.memref_squeeze %dma_start3A_88 : memref<1x56xi32, #tpu.memory_space<vmem>> -> memref<56xi32, #tpu.memory_space<vmem>>
    %dma_start3A_90 = arith.constant 0 : i32
    %dma_start3A_91 = arith.constant 0 : i32
    %dma_start3A_92 = tpu.memref_slice %arg2[%dma_start3A_90, %dma_start3A_91] : memref<100000x32xi32, #tpu.memory_space<hbm>> -> memref<100000x32xi32, #tpu.memory_space<hbm>>
    tpu.enqueue_indirect_dma source(%dma_start3A_92 : memref<100000x32xi32, #tpu.memory_space<hbm>>) target(%dma_start3A_86 : memref<56x32xi32, #tpu.memory_space<vmem>>) offsets(%dma_start3A_89 : memref<56xi32, #tpu.memory_space<vmem>>) semaphore(%arg19 : memref<!tpu.dma_semaphore, #tpu.memory_space<semaphore_mem>>)
    %min3A_93 = arith.constant 6 : i32
    %min3A_94 = arith.constant 127 : i32
    %min3A_95 = arith.minsi %min3A_93, %min3A_94 : i32
    %dma_start3A_96 = arith.constant 6 : i32
    %dma_start3A_97 = arith.constant 0 : i32
    %dma_start3A_98 = arith.constant 0 : i32
    %dma_start3A_99 = tpu.memref_slice %arg13[%dma_start3A_96, %dma_start3A_97, %dma_start3A_98] : memref<8x56x32xi32, #tpu.memory_space<vmem>> -> memref<1x56x32xi32, #tpu.memory_space<vmem>>
    %dma_start3A_100 = tpu.memref_squeeze %dma_start3A_99 : memref<1x56x32xi32, #tpu.memory_space<vmem>> -> memref<56x32xi32, #tpu.memory_space<vmem>>
    %dma_start3A_101 = arith.constant 0 : i32
    %dma_start3A_102 = tpu.memref_slice %arg10[%min3A_95, %dma_start3A_101] : memref<128x64xi32, #tpu.memory_space<vmem>> -> memref<1x56xi32, #tpu.memory_space<vmem>>
    %dma_start3A_103 = tpu.memref_squeeze %dma_start3A_102 : memref<1x56xi32, #tpu.memory_space<vmem>> -> memref<56xi32, #tpu.memory_space<vmem>>
    %dma_start3A_104 = arith.constant 0 : i32
    %dma_start3A_105 = arith.constant 0 : i32
    %dma_start3A_106 = tpu.memref_slice %arg2[%dma_start3A_104, %dma_start3A_105] : memref<100000x32xi32, #tpu.memory_space<hbm>> -> memref<100000x32xi32, #tpu.memory_space<hbm>>
    tpu.enqueue_indirect_dma source(%dma_start3A_106 : memref<100000x32xi32, #tpu.memory_space<hbm>>) target(%dma_start3A_100 : memref<56x32xi32, #tpu.memory_space<vmem>>) offsets(%dma_start3A_103 : memref<56xi32, #tpu.memory_space<vmem>>) semaphore(%arg20 : memref<!tpu.dma_semaphore, #tpu.memory_space<semaphore_mem>>)
    %min3A_107 = arith.constant 7 : i32
    %min3A_108 = arith.constant 127 : i32
    %min3A_109 = arith.minsi %min3A_107, %min3A_108 : i32
    %dma_start3A_110 = arith.constant 7 : i32
    %dma_start3A_111 = arith.constant 0 : i32
    %dma_start3A_112 = arith.constant 0 : i32
    %dma_start3A_113 = tpu.memref_slice %arg13[%dma_start3A_110, %dma_start3A_111, %dma_start3A_112] : memref<8x56x32xi32, #tpu.memory_space<vmem>> -> memref<1x56x32xi32, #tpu.memory_space<vmem>>
    %dma_start3A_114 = tpu.memref_squeeze %dma_start3A_113 : memref<1x56x32xi32, #tpu.memory_space<vmem>> -> memref<56x32xi32, #tpu.memory_space<vmem>>
    %dma_start3A_115 = arith.constant 0 : i32
    %dma_start3A_116 = tpu.memref_slice %arg10[%min3A_109, %dma_start3A_115] : memref<128x64xi32, #tpu.memory_space<vmem>> -> memref<1x56xi32, #tpu.memory_space<vmem>>
    %dma_start3A_117 = tpu.memref_squeeze %dma_start3A_116 : memref<1x56xi32, #tpu.memory_space<vmem>> -> memref<56xi32, #tpu.memory_space<vmem>>
    %dma_start3A_118 = arith.constant 0 : i32
    %dma_start3A_119 = arith.constant 0 : i32
    %dma_start3A_120 = tpu.memref_slice %arg2[%dma_start3A_118, %dma_start3A_119] : memref<100000x32xi32, #tpu.memory_space<hbm>> -> memref<100000x32xi32, #tpu.memory_space<hbm>>
    tpu.enqueue_indirect_dma source(%dma_start3A_120 : memref<100000x32xi32, #tpu.memory_space<hbm>>) target(%dma_start3A_114 : memref<56x32xi32, #tpu.memory_space<vmem>>) offsets(%dma_start3A_117 : memref<56xi32, #tpu.memory_space<vmem>>) semaphore(%arg21 : memref<!tpu.dma_semaphore, #tpu.memory_space<semaphore_mem>>)
    %broadcast_in_dim3A = arith.constant -65536 : i32
    %broadcast_in_dim3A_121 = vector.broadcast %broadcast_in_dim3A : i32 to vector<16xi32>
    %scan3A = arith.constant 0 : i32
    %scan3A_122 = arith.constant 0 : i32
    %scan3A_123 = arith.constant 16 : i32
    %scan3A_124 = arith.addi %scan3A_122, %scan3A_123 : i32
    %scan3A_125 = arith.constant 1 : i32
    scf.for %scan3A_242 = %scan3A_122 to %scan3A_124 step %scan3A_125  : i32 {
      %mul3A_243 = arith.constant 8 : i32
      %mul3A_244 = arith.muli %scan3A_242, %mul3A_243 : i32
      %add3A_245 = arith.constant 0 : i32
      %add3A_246 = arith.addi %mul3A_244, %add3A_245 : i32
      %min3A_247 = arith.constant 127 : i32
      %min3A_248 = arith.minsi %add3A_246, %min3A_247 : i32
      %dma_wait3A_249 = arith.constant 0 : i32
      %dma_wait3A_250 = arith.constant 0 : i32
      %dma_wait3A_251 = arith.constant 0 : i32
      %dma_wait3A_252 = tpu.memref_slice %arg13[%dma_wait3A_249, %dma_wait3A_250, %dma_wait3A_251] : memref<8x56x32xi32, #tpu.memory_space<vmem>> -> memref<1x56x32xi32, #tpu.memory_space<vmem>>
      %dma_wait3A_253 = tpu.memref_squeeze %dma_wait3A_252 : memref<1x56x32xi32, #tpu.memory_space<vmem>> -> memref<56x32xi32, #tpu.memory_space<vmem>>
      %dma_wait3A_254 = arith.constant 0 : i32
      %dma_wait3A_255 = tpu.memref_slice %arg10[%min3A_248, %dma_wait3A_254] : memref<128x64xi32, #tpu.memory_space<vmem>> -> memref<1x56xi32, #tpu.memory_space<vmem>>
      %dma_wait3A_256 = tpu.memref_squeeze %dma_wait3A_255 : memref<1x56xi32, #tpu.memory_space<vmem>> -> memref<56xi32, #tpu.memory_space<vmem>>
      %dma_wait3A_257 = arith.constant 0 : i32
      %dma_wait3A_258 = arith.constant 0 : i32
      %dma_wait3A_259 = tpu.memref_slice %arg2[%dma_wait3A_257, %dma_wait3A_258] : memref<100000x32xi32, #tpu.memory_space<hbm>> -> memref<100000x32xi32, #tpu.memory_space<hbm>>
      tpu.wait_indirect_dma semaphore(%arg14 : memref<!tpu.dma_semaphore, #tpu.memory_space<semaphore_mem>>) src(%dma_wait3A_259 : memref<100000x32xi32, #tpu.memory_space<hbm>>) dst(%dma_wait3A_253 : memref<56x32xi32, #tpu.memory_space<vmem>>)
      %broadcast_in_dim3A_260 = arith.constant 0.000000e+00 : f32
      %broadcast_in_dim3A_261 = vector.broadcast %broadcast_in_dim3A_260 : f32 to vector<16xf32>
      %scan3A_262 = arith.constant 0 : i32
      %scan3A_263 = arith.constant 50 : i32
      %scan3A_264 = arith.addi %scan3A_262, %scan3A_263 : i32
      %scan3A_265 = arith.constant 1 : i32
      %scan3A_266:4 = scf.for %scan3A_722 = %scan3A_262 to %scan3A_264 step %scan3A_265 iter_args(%scan3A_723 = %broadcast_in_dim3A_261, %scan3A_724 = %broadcast_in_dim3A_261, %scan3A_725 = %broadcast_in_dim3A_261, %scan3A_726 = %broadcast_in_dim3A_261) -> (vector<16xf32>, vector<16xf32>, vector<16xf32>, vector<16xf32>)  : i32 {
        %get3A = arith.constant 0 : i32
        %get3A_727 = arith.index_cast %get3A : i32 to index
        %get3A_728 = arith.index_cast %scan3A_722 : i32 to index
        %get3A_729 = arith.constant 0 : index
        %get3A_730 = tpu.vector_load %arg13[%get3A_727, %get3A_728, %get3A_729] {strides = array<i32>} : memref<8x56x32xi32, #tpu.memory_space<vmem>>, vector<1x1x16xi32>,
        %get3A_731 = vector.shape_cast %get3A_730 : vector<1x1x16xi32> to vector<16xi32>
        %get3A_732 = arith.constant 0 : i32
        %get3A_733 = arith.index_cast %get3A_732 : i32 to index
        %get3A_734 = arith.index_cast %scan3A_722 : i32 to index
        %get3A_735 = arith.constant 16 : index
        %get3A_736 = tpu.vector_load %arg13[%get3A_733, %get3A_734, %get3A_735] {strides = array<i32>} : memref<8x56x32xi32, #tpu.memory_space<vmem>>, vector<1x1x16xi32>,
        %get3A_737 = vector.shape_cast %get3A_736 : vector<1x1x16xi32> to vector<16xi32>
        %shift_left3A = arith.constant 16 : i32
        %shift_left3A_738 = vector.broadcast %shift_left3A : i32 to vector<16xi32>
        %shift_left3A_739 = arith.shli %get3A_731, %shift_left3A_738 : vector<16xi32>
        %bitcast_convert_type3A = tpu.bitcast %shift_left3A_739 : vector<16xi32> -> vector<16xf32>
        %add3A_740 = arith.addf %scan3A_723, %bitcast_convert_type3A : vector<16xf32>
        %and3A = arith.andi %get3A_731, %broadcast_in_dim3A_121 : vector<16xi32>
        %bitcast_convert_type3A_741 = tpu.bitcast %and3A : vector<16xi32> -> vector<16xf32>
        %add3A_742 = arith.addf %scan3A_724, %bitcast_convert_type3A_741 : vector<16xf32>
        %shift_left3A_743 = arith.constant 16 : i32
        %shift_left3A_744 = vector.broadcast %shift_left3A_743 : i32 to vector<16xi32>
        %shift_left3A_745 = arith.shli %get3A_737, %shift_left3A_744 : vector<16xi32>
        %bitcast_convert_type3A_746 = tpu.bitcast %shift_left3A_745 : vector<16xi32> -> vector<16xf32>
        %add3A_747 = arith.addf %scan3A_725, %bitcast_convert_type3A_746 : vector<16xf32>
        %and3A_748 = arith.andi %get3A_737, %broadcast_in_dim3A_121 : vector<16xi32>
        %bitcast_convert_type3A_749 = tpu.bitcast %and3A_748 : vector<16xi32> -> vector<16xf32>
        %add3A_750 = arith.addf %scan3A_726, %bitcast_convert_type3A_749 : vector<16xf32>
        scf.yield %add3A_740, %add3A_742, %add3A_747, %add3A_750 : vector<16xf32>, vector<16xf32>, vector<16xf32>, vector<16xf32>
      }
      %scan3A_267 = arith.constant 50 : i32
      %swap3A = arith.index_cast %add3A_246 : i32 to index
      %swap3A_268 = arith.constant 0 : index
      %swap3A_269 = tpu.vector_load %arg12[%swap3A, %swap3A_268] {strides = array<i32>} : memref<128x64xf32, #tpu.memory_space<vmem>>, vector<1x16xf32>,
      %swap3A_270 = vector.shape_cast %swap3A_269 : vector<1x16xf32> to vector<16xf32>
      %swap3A_271 = vector.shape_cast %scan3A_266#0 : vector<16xf32> to vector<1x16xf32>
      tpu.vector_store %arg12[%swap3A, %swap3A_268], %swap3A_271 {strides = array<i32>} : memref<128x64xf32, #tpu.memory_space<vmem>>, vector<1x16xf32>,
      %swap3A_272 = arith.index_cast %add3A_246 : i32 to index
      %swap3A_273 = arith.constant 16 : index
      %swap3A_274 = tpu.vector_load %arg12[%swap3A_272, %swap3A_273] {strides = array<i32>} : memref<128x64xf32, #tpu.memory_space<vmem>>, vector<1x16xf32>,
      %swap3A_275 = vector.shape_cast %swap3A_274 : vector<1x16xf32> to vector<16xf32>
      %swap3A_276 = vector.shape_cast %scan3A_266#1 : vector<16xf32> to vector<1x16xf32>
      tpu.vector_store %arg12[%swap3A_272, %swap3A_273], %swap3A_276 {strides = array<i32>} : memref<128x64xf32, #tpu.memory_space<vmem>>, vector<1x16xf32>,
      %swap3A_277 = arith.index_cast %add3A_246 : i32 to index
      %swap3A_278 = arith.constant 32 : index
      %swap3A_279 = tpu.vector_load %arg12[%swap3A_277, %swap3A_278] {strides = array<i32>} : memref<128x64xf32, #tpu.memory_space<vmem>>, vector<1x16xf32>,
      %swap3A_280 = vector.shape_cast %swap3A_279 : vector<1x16xf32> to vector<16xf32>
      %swap3A_281 = vector.shape_cast %scan3A_266#2 : vector<16xf32> to vector<1x16xf32>
      tpu.vector_store %arg12[%swap3A_277, %swap3A_278], %swap3A_281 {strides = array<i32>} : memref<128x64xf32, #tpu.memory_space<vmem>>, vector<1x16xf32>,
      %swap3A_282 = arith.index_cast %add3A_246 : i32 to index
      %swap3A_283 = arith.constant 48 : index
      %swap3A_284 = tpu.vector_load %arg12[%swap3A_282, %swap3A_283] {strides = array<i32>} : memref<128x64xf32, #tpu.memory_space<vmem>>, vector<1x16xf32>,
      %swap3A_285 = vector.shape_cast %swap3A_284 : vector<1x16xf32> to vector<16xf32>
      %swap3A_286 = vector.shape_cast %scan3A_266#3 : vector<16xf32> to vector<1x16xf32>
      tpu.vector_store %arg12[%swap3A_282, %swap3A_283], %swap3A_286 {strides = array<i32>} : memref<128x64xf32, #tpu.memory_space<vmem>>, vector<1x16xf32>,
      %add3A_287 = arith.constant 8 : i32
      %add3A_288 = arith.addi %add3A_246, %add3A_287 : i32
      %min3A_289 = arith.constant 127 : i32
      %min3A_290 = arith.minsi %add3A_288, %min3A_289 : i32
      %dma_start3A_291 = arith.constant 0 : i32
      %dma_start3A_292 = arith.constant 0 : i32
      %dma_start3A_293 = arith.constant 0 : i32
      %dma_start3A_294 = tpu.memref_slice %arg13[%dma_start3A_291, %dma_start3A_292, %dma_start3A_293] : memref<8x56x32xi32, #tpu.memory_space<vmem>> -> memref<1x56x32xi32, #tpu.memory_space<vmem>>
      %dma_start3A_295 = tpu.memref_squeeze %dma_start3A_294 : memref<1x56x32xi32, #tpu.memory_space<vmem>> -> memref<56x32xi32, #tpu.memory_space<vmem>>
      %dma_start3A_296 = arith.constant 0 : i32
      %dma_start3A_297 = tpu.memref_slice %arg10[%min3A_290, %dma_start3A_296] : memref<128x64xi32, #tpu.memory_space<vmem>> -> memref<1x56xi32, #tpu.memory_space<vmem>>
      %dma_start3A_298 = tpu.memref_squeeze %dma_start3A_297 : memref<1x56xi32, #tpu.memory_space<vmem>> -> memref<56xi32, #tpu.memory_space<vmem>>
      %dma_start3A_299 = arith.constant 0 : i32
      %dma_start3A_300 = arith.constant 0 : i32
      %dma_start3A_301 = tpu.memref_slice %arg2[%dma_start3A_299, %dma_start3A_300] : memref<100000x32xi32, #tpu.memory_space<hbm>> -> memref<100000x32xi32, #tpu.memory_space<hbm>>
      tpu.enqueue_indirect_dma source(%dma_start3A_301 : memref<100000x32xi32, #tpu.memory_space<hbm>>) target(%dma_start3A_295 : memref<56x32xi32, #tpu.memory_space<vmem>>) offsets(%dma_start3A_298 : memref<56xi32, #tpu.memory_space<vmem>>) semaphore(%arg14 : memref<!tpu.dma_semaphore, #tpu.memory_space<semaphore_mem>>)
      %mul3A_302 = arith.constant 8 : i32
      %mul3A_303 = arith.muli %scan3A_242, %mul3A_302 : i32
      %add3A_304 = arith.constant 1 : i32
      %add3A_305 = arith.addi %mul3A_303, %add3A_304 : i32
      %min3A_306 = arith.constant 127 : i32
      %min3A_307 = arith.minsi %add3A_305, %min3A_306 : i32
      %dma_wait3A_308 = arith.constant 1 : i32
      %dma_wait3A_309 = arith.constant 0 : i32
      %dma_wait3A_310 = arith.constant 0 : i32
      %dma_wait3A_311 = tpu.memref_slice %arg13[%dma_wait3A_308, %dma_wait3A_309, %dma_wait3A_310] : memref<8x56x32xi32, #tpu.memory_space<vmem>> -> memref<1x56x32xi32, #tpu.memory_space<vmem>>
      %dma_wait3A_312 = tpu.memref_squeeze %dma_wait3A_311 : memref<1x56x32xi32, #tpu.memory_space<vmem>> -> memref<56x32xi32, #tpu.memory_space<vmem>>
      %dma_wait3A_313 = arith.constant 0 : i32
      %dma_wait3A_314 = tpu.memref_slice %arg10[%min3A_307, %dma_wait3A_313] : memref<128x64xi32, #tpu.memory_space<vmem>> -> memref<1x56xi32, #tpu.memory_space<vmem>>
      %dma_wait3A_315 = tpu.memref_squeeze %dma_wait3A_314 : memref<1x56xi32, #tpu.memory_space<vmem>> -> memref<56xi32, #tpu.memory_space<vmem>>
      %dma_wait3A_316 = arith.constant 0 : i32
      %dma_wait3A_317 = arith.constant 0 : i32
      %dma_wait3A_318 = tpu.memref_slice %arg2[%dma_wait3A_316, %dma_wait3A_317] : memref<100000x32xi32, #tpu.memory_space<hbm>> -> memref<100000x32xi32, #tpu.memory_space<hbm>>
      tpu.wait_indirect_dma semaphore(%arg15 : memref<!tpu.dma_semaphore, #tpu.memory_space<semaphore_mem>>) src(%dma_wait3A_318 : memref<100000x32xi32, #tpu.memory_space<hbm>>) dst(%dma_wait3A_312 : memref<56x32xi32, #tpu.memory_space<vmem>>)
      %broadcast_in_dim3A_319 = arith.constant 0.000000e+00 : f32
      %broadcast_in_dim3A_320 = vector.broadcast %broadcast_in_dim3A_319 : f32 to vector<16xf32>
      %scan3A_321 = arith.constant 0 : i32
      %scan3A_322 = arith.constant 50 : i32
      %scan3A_323 = arith.addi %scan3A_321, %scan3A_322 : i32
      %scan3A_324 = arith.constant 1 : i32
      %scan3A_325:4 = scf.for %scan3A_722 = %scan3A_321 to %scan3A_323 step %scan3A_324 iter_args(%scan3A_723 = %broadcast_in_dim3A_320, %scan3A_724 = %broadcast_in_dim3A_320, %scan3A_725 = %broadcast_in_dim3A_320, %scan3A_726 = %broadcast_in_dim3A_320) -> (vector<16xf32>, vector<16xf32>, vector<16xf32>, vector<16xf32>)  : i32 {
        %get3A = arith.constant 1 : i32
        %get3A_727 = arith.index_cast %get3A : i32 to index
        %get3A_728 = arith.index_cast %scan3A_722 : i32 to index
        %get3A_729 = arith.constant 0 : index
        %get3A_730 = tpu.vector_load %arg13[%get3A_727, %get3A_728, %get3A_729] {strides = array<i32>} : memref<8x56x32xi32, #tpu.memory_space<vmem>>, vector<1x1x16xi32>,
        %get3A_731 = vector.shape_cast %get3A_730 : vector<1x1x16xi32> to vector<16xi32>
        %get3A_732 = arith.constant 1 : i32
        %get3A_733 = arith.index_cast %get3A_732 : i32 to index
        %get3A_734 = arith.index_cast %scan3A_722 : i32 to index
        %get3A_735 = arith.constant 16 : index
        %get3A_736 = tpu.vector_load %arg13[%get3A_733, %get3A_734, %get3A_735] {strides = array<i32>} : memref<8x56x32xi32, #tpu.memory_space<vmem>>, vector<1x1x16xi32>,
        %get3A_737 = vector.shape_cast %get3A_736 : vector<1x1x16xi32> to vector<16xi32>
        %shift_left3A = arith.constant 16 : i32
        %shift_left3A_738 = vector.broadcast %shift_left3A : i32 to vector<16xi32>
        %shift_left3A_739 = arith.shli %get3A_731, %shift_left3A_738 : vector<16xi32>
        %bitcast_convert_type3A = tpu.bitcast %shift_left3A_739 : vector<16xi32> -> vector<16xf32>
        %add3A_740 = arith.addf %scan3A_723, %bitcast_convert_type3A : vector<16xf32>
        %and3A = arith.andi %get3A_731, %broadcast_in_dim3A_121 : vector<16xi32>
        %bitcast_convert_type3A_741 = tpu.bitcast %and3A : vector<16xi32> -> vector<16xf32>
        %add3A_742 = arith.addf %scan3A_724, %bitcast_convert_type3A_741 : vector<16xf32>
        %shift_left3A_743 = arith.constant 16 : i32
        %shift_left3A_744 = vector.broadcast %shift_left3A_743 : i32 to vector<16xi32>
        %shift_left3A_745 = arith.shli %get3A_737, %shift_left3A_744 : vector<16xi32>
        %bitcast_convert_type3A_746 = tpu.bitcast %shift_left3A_745 : vector<16xi32> -> vector<16xf32>
        %add3A_747 = arith.addf %scan3A_725, %bitcast_convert_type3A_746 : vector<16xf32>
        %and3A_748 = arith.andi %get3A_737, %broadcast_in_dim3A_121 : vector<16xi32>
        %bitcast_convert_type3A_749 = tpu.bitcast %and3A_748 : vector<16xi32> -> vector<16xf32>
        %add3A_750 = arith.addf %scan3A_726, %bitcast_convert_type3A_749 : vector<16xf32>
        scf.yield %add3A_740, %add3A_742, %add3A_747, %add3A_750 : vector<16xf32>, vector<16xf32>, vector<16xf32>, vector<16xf32>
      }
      %scan3A_326 = arith.constant 50 : i32
      %swap3A_327 = arith.index_cast %add3A_305 : i32 to index
      %swap3A_328 = arith.constant 0 : index
      %swap3A_329 = tpu.vector_load %arg12[%swap3A_327, %swap3A_328] {strides = array<i32>} : memref<128x64xf32, #tpu.memory_space<vmem>>, vector<1x16xf32>,
      %swap3A_330 = vector.shape_cast %swap3A_329 : vector<1x16xf32> to vector<16xf32>
      %swap3A_331 = vector.shape_cast %scan3A_325#0 : vector<16xf32> to vector<1x16xf32>
      tpu.vector_store %arg12[%swap3A_327, %swap3A_328], %swap3A_331 {strides = array<i32>} : memref<128x64xf32, #tpu.memory_space<vmem>>, vector<1x16xf32>,
      %swap3A_332 = arith.index_cast %add3A_305 : i32 to index
      %swap3A_333 = arith.constant 16 : index
      %swap3A_334 = tpu.vector_load %arg12[%swap3A_332, %swap3A_333] {strides = array<i32>} : memref<128x64xf32, #tpu.memory_space<vmem>>, vector<1x16xf32>,
      %swap3A_335 = vector.shape_cast %swap3A_334 : vector<1x16xf32> to vector<16xf32>
      %swap3A_336 = vector.shape_cast %scan3A_325#1 : vector<16xf32> to vector<1x16xf32>
      tpu.vector_store %arg12[%swap3A_332, %swap3A_333], %swap3A_336 {strides = array<i32>} : memref<128x64xf32, #tpu.memory_space<vmem>>, vector<1x16xf32>,
      %swap3A_337 = arith.index_cast %add3A_305 : i32 to index
      %swap3A_338 = arith.constant 32 : index
      %swap3A_339 = tpu.vector_load %arg12[%swap3A_337, %swap3A_338] {strides = array<i32>} : memref<128x64xf32, #tpu.memory_space<vmem>>, vector<1x16xf32>,
      %swap3A_340 = vector.shape_cast %swap3A_339 : vector<1x16xf32> to vector<16xf32>
      %swap3A_341 = vector.shape_cast %scan3A_325#2 : vector<16xf32> to vector<1x16xf32>
      tpu.vector_store %arg12[%swap3A_337, %swap3A_338], %swap3A_341 {strides = array<i32>} : memref<128x64xf32, #tpu.memory_space<vmem>>, vector<1x16xf32>,
      %swap3A_342 = arith.index_cast %add3A_305 : i32 to index
      %swap3A_343 = arith.constant 48 : index
      %swap3A_344 = tpu.vector_load %arg12[%swap3A_342, %swap3A_343] {strides = array<i32>} : memref<128x64xf32, #tpu.memory_space<vmem>>, vector<1x16xf32>,
      %swap3A_345 = vector.shape_cast %swap3A_344 : vector<1x16xf32> to vector<16xf32>
      %swap3A_346 = vector.shape_cast %scan3A_325#3 : vector<16xf32> to vector<1x16xf32>
      tpu.vector_store %arg12[%swap3A_342, %swap3A_343], %swap3A_346 {strides = array<i32>} : memref<128x64xf32, #tpu.memory_space<vmem>>, vector<1x16xf32>,
      %add3A_347 = arith.constant 8 : i32
      %add3A_348 = arith.addi %add3A_305, %add3A_347 : i32
      %min3A_349 = arith.constant 127 : i32
      %min3A_350 = arith.minsi %add3A_348, %min3A_349 : i32
      %dma_start3A_351 = arith.constant 1 : i32
      %dma_start3A_352 = arith.constant 0 : i32
      %dma_start3A_353 = arith.constant 0 : i32
      %dma_start3A_354 = tpu.memref_slice %arg13[%dma_start3A_351, %dma_start3A_352, %dma_start3A_353] : memref<8x56x32xi32, #tpu.memory_space<vmem>> -> memref<1x56x32xi32, #tpu.memory_space<vmem>>
      %dma_start3A_355 = tpu.memref_squeeze %dma_start3A_354 : memref<1x56x32xi32, #tpu.memory_space<vmem>> -> memref<56x32xi32, #tpu.memory_space<vmem>>
      %dma_start3A_356 = arith.constant 0 : i32
      %dma_start3A_357 = tpu.memref_slice %arg10[%min3A_350, %dma_start3A_356] : memref<128x64xi32, #tpu.memory_space<vmem>> -> memref<1x56xi32, #tpu.memory_space<vmem>>
      %dma_start3A_358 = tpu.memref_squeeze %dma_start3A_357 : memref<1x56xi32, #tpu.memory_space<vmem>> -> memref<56xi32, #tpu.memory_space<vmem>>
      %dma_start3A_359 = arith.constant 0 : i32
      %dma_start3A_360 = arith.constant 0 : i32
      %dma_start3A_361 = tpu.memref_slice %arg2[%dma_start3A_359, %dma_start3A_360] : memref<100000x32xi32, #tpu.memory_space<hbm>> -> memref<100000x32xi32, #tpu.memory_space<hbm>>
      tpu.enqueue_indirect_dma source(%dma_start3A_361 : memref<100000x32xi32, #tpu.memory_space<hbm>>) target(%dma_start3A_355 : memref<56x32xi32, #tpu.memory_space<vmem>>) offsets(%dma_start3A_358 : memref<56xi32, #tpu.memory_space<vmem>>) semaphore(%arg15 : memref<!tpu.dma_semaphore, #tpu.memory_space<semaphore_mem>>)
      %mul3A_362 = arith.constant 8 : i32
      %mul3A_363 = arith.muli %scan3A_242, %mul3A_362 : i32
      %add3A_364 = arith.constant 2 : i32
      %add3A_365 = arith.addi %mul3A_363, %add3A_364 : i32
      %min3A_366 = arith.constant 127 : i32
      %min3A_367 = arith.minsi %add3A_365, %min3A_366 : i32
      %dma_wait3A_368 = arith.constant 2 : i32
      %dma_wait3A_369 = arith.constant 0 : i32
      %dma_wait3A_370 = arith.constant 0 : i32
      %dma_wait3A_371 = tpu.memref_slice %arg13[%dma_wait3A_368, %dma_wait3A_369, %dma_wait3A_370] : memref<8x56x32xi32, #tpu.memory_space<vmem>> -> memref<1x56x32xi32, #tpu.memory_space<vmem>>
      %dma_wait3A_372 = tpu.memref_squeeze %dma_wait3A_371 : memref<1x56x32xi32, #tpu.memory_space<vmem>> -> memref<56x32xi32, #tpu.memory_space<vmem>>
      %dma_wait3A_373 = arith.constant 0 : i32
      %dma_wait3A_374 = tpu.memref_slice %arg10[%min3A_367, %dma_wait3A_373] : memref<128x64xi32, #tpu.memory_space<vmem>> -> memref<1x56xi32, #tpu.memory_space<vmem>>
      %dma_wait3A_375 = tpu.memref_squeeze %dma_wait3A_374 : memref<1x56xi32, #tpu.memory_space<vmem>> -> memref<56xi32, #tpu.memory_space<vmem>>
      %dma_wait3A_376 = arith.constant 0 : i32
      %dma_wait3A_377 = arith.constant 0 : i32
      %dma_wait3A_378 = tpu.memref_slice %arg2[%dma_wait3A_376, %dma_wait3A_377] : memref<100000x32xi32, #tpu.memory_space<hbm>> -> memref<100000x32xi32, #tpu.memory_space<hbm>>
      tpu.wait_indirect_dma semaphore(%arg16 : memref<!tpu.dma_semaphore, #tpu.memory_space<semaphore_mem>>) src(%dma_wait3A_378 : memref<100000x32xi32, #tpu.memory_space<hbm>>) dst(%dma_wait3A_372 : memref<56x32xi32, #tpu.memory_space<vmem>>)
      %broadcast_in_dim3A_379 = arith.constant 0.000000e+00 : f32
      %broadcast_in_dim3A_380 = vector.broadcast %broadcast_in_dim3A_379 : f32 to vector<16xf32>
      %scan3A_381 = arith.constant 0 : i32
      %scan3A_382 = arith.constant 50 : i32
      %scan3A_383 = arith.addi %scan3A_381, %scan3A_382 : i32
      %scan3A_384 = arith.constant 1 : i32
      %scan3A_385:4 = scf.for %scan3A_722 = %scan3A_381 to %scan3A_383 step %scan3A_384 iter_args(%scan3A_723 = %broadcast_in_dim3A_380, %scan3A_724 = %broadcast_in_dim3A_380, %scan3A_725 = %broadcast_in_dim3A_380, %scan3A_726 = %broadcast_in_dim3A_380) -> (vector<16xf32>, vector<16xf32>, vector<16xf32>, vector<16xf32>)  : i32 {
        %get3A = arith.constant 2 : i32
        %get3A_727 = arith.index_cast %get3A : i32 to index
        %get3A_728 = arith.index_cast %scan3A_722 : i32 to index
        %get3A_729 = arith.constant 0 : index
        %get3A_730 = tpu.vector_load %arg13[%get3A_727, %get3A_728, %get3A_729] {strides = array<i32>} : memref<8x56x32xi32, #tpu.memory_space<vmem>>, vector<1x1x16xi32>,
        %get3A_731 = vector.shape_cast %get3A_730 : vector<1x1x16xi32> to vector<16xi32>
        %get3A_732 = arith.constant 2 : i32
        %get3A_733 = arith.index_cast %get3A_732 : i32 to index
        %get3A_734 = arith.index_cast %scan3A_722 : i32 to index
        %get3A_735 = arith.constant 16 : index
        %get3A_736 = tpu.vector_load %arg13[%get3A_733, %get3A_734, %get3A_735] {strides = array<i32>} : memref<8x56x32xi32, #tpu.memory_space<vmem>>, vector<1x1x16xi32>,
        %get3A_737 = vector.shape_cast %get3A_736 : vector<1x1x16xi32> to vector<16xi32>
        %shift_left3A = arith.constant 16 : i32
        %shift_left3A_738 = vector.broadcast %shift_left3A : i32 to vector<16xi32>
        %shift_left3A_739 = arith.shli %get3A_731, %shift_left3A_738 : vector<16xi32>
        %bitcast_convert_type3A = tpu.bitcast %shift_left3A_739 : vector<16xi32> -> vector<16xf32>
        %add3A_740 = arith.addf %scan3A_723, %bitcast_convert_type3A : vector<16xf32>
        %and3A = arith.andi %get3A_731, %broadcast_in_dim3A_121 : vector<16xi32>
        %bitcast_convert_type3A_741 = tpu.bitcast %and3A : vector<16xi32> -> vector<16xf32>
        %add3A_742 = arith.addf %scan3A_724, %bitcast_convert_type3A_741 : vector<16xf32>
        %shift_left3A_743 = arith.constant 16 : i32
        %shift_left3A_744 = vector.broadcast %shift_left3A_743 : i32 to vector<16xi32>
        %shift_left3A_745 = arith.shli %get3A_737, %shift_left3A_744 : vector<16xi32>
        %bitcast_convert_type3A_746 = tpu.bitcast %shift_left3A_745 : vector<16xi32> -> vector<16xf32>
        %add3A_747 = arith.addf %scan3A_725, %bitcast_convert_type3A_746 : vector<16xf32>
        %and3A_748 = arith.andi %get3A_737, %broadcast_in_dim3A_121 : vector<16xi32>
        %bitcast_convert_type3A_749 = tpu.bitcast %and3A_748 : vector<16xi32> -> vector<16xf32>
        %add3A_750 = arith.addf %scan3A_726, %bitcast_convert_type3A_749 : vector<16xf32>
        scf.yield %add3A_740, %add3A_742, %add3A_747, %add3A_750 : vector<16xf32>, vector<16xf32>, vector<16xf32>, vector<16xf32>
      }
      %scan3A_386 = arith.constant 50 : i32
      %swap3A_387 = arith.index_cast %add3A_365 : i32 to index
      %swap3A_388 = arith.constant 0 : index
      %swap3A_389 = tpu.vector_load %arg12[%swap3A_387, %swap3A_388] {strides = array<i32>} : memref<128x64xf32, #tpu.memory_space<vmem>>, vector<1x16xf32>,
      %swap3A_390 = vector.shape_cast %swap3A_389 : vector<1x16xf32> to vector<16xf32>
      %swap3A_391 = vector.shape_cast %scan3A_385#0 : vector<16xf32> to vector<1x16xf32>
      tpu.vector_store %arg12[%swap3A_387, %swap3A_388], %swap3A_391 {strides = array<i32>} : memref<128x64xf32, #tpu.memory_space<vmem>>, vector<1x16xf32>,
      %swap3A_392 = arith.index_cast %add3A_365 : i32 to index
      %swap3A_393 = arith.constant 16 : index
      %swap3A_394 = tpu.vector_load %arg12[%swap3A_392, %swap3A_393] {strides = array<i32>} : memref<128x64xf32, #tpu.memory_space<vmem>>, vector<1x16xf32>,
      %swap3A_395 = vector.shape_cast %swap3A_394 : vector<1x16xf32> to vector<16xf32>
      %swap3A_396 = vector.shape_cast %scan3A_385#1 : vector<16xf32> to vector<1x16xf32>
      tpu.vector_store %arg12[%swap3A_392, %swap3A_393], %swap3A_396 {strides = array<i32>} : memref<128x64xf32, #tpu.memory_space<vmem>>, vector<1x16xf32>,
      %swap3A_397 = arith.index_cast %add3A_365 : i32 to index
      %swap3A_398 = arith.constant 32 : index
      %swap3A_399 = tpu.vector_load %arg12[%swap3A_397, %swap3A_398] {strides = array<i32>} : memref<128x64xf32, #tpu.memory_space<vmem>>, vector<1x16xf32>,
      %swap3A_400 = vector.shape_cast %swap3A_399 : vector<1x16xf32> to vector<16xf32>
      %swap3A_401 = vector.shape_cast %scan3A_385#2 : vector<16xf32> to vector<1x16xf32>
      tpu.vector_store %arg12[%swap3A_397, %swap3A_398], %swap3A_401 {strides = array<i32>} : memref<128x64xf32, #tpu.memory_space<vmem>>, vector<1x16xf32>,
      %swap3A_402 = arith.index_cast %add3A_365 : i32 to index
      %swap3A_403 = arith.constant 48 : index
      %swap3A_404 = tpu.vector_load %arg12[%swap3A_402, %swap3A_403] {strides = array<i32>} : memref<128x64xf32, #tpu.memory_space<vmem>>, vector<1x16xf32>,
      %swap3A_405 = vector.shape_cast %swap3A_404 : vector<1x16xf32> to vector<16xf32>
      %swap3A_406 = vector.shape_cast %scan3A_385#3 : vector<16xf32> to vector<1x16xf32>
      tpu.vector_store %arg12[%swap3A_402, %swap3A_403], %swap3A_406 {strides = array<i32>} : memref<128x64xf32, #tpu.memory_space<vmem>>, vector<1x16xf32>,
      %add3A_407 = arith.constant 8 : i32
      %add3A_408 = arith.addi %add3A_365, %add3A_407 : i32
      %min3A_409 = arith.constant 127 : i32
      %min3A_410 = arith.minsi %add3A_408, %min3A_409 : i32
      %dma_start3A_411 = arith.constant 2 : i32
      %dma_start3A_412 = arith.constant 0 : i32
      %dma_start3A_413 = arith.constant 0 : i32
      %dma_start3A_414 = tpu.memref_slice %arg13[%dma_start3A_411, %dma_start3A_412, %dma_start3A_413] : memref<8x56x32xi32, #tpu.memory_space<vmem>> -> memref<1x56x32xi32, #tpu.memory_space<vmem>>
      %dma_start3A_415 = tpu.memref_squeeze %dma_start3A_414 : memref<1x56x32xi32, #tpu.memory_space<vmem>> -> memref<56x32xi32, #tpu.memory_space<vmem>>
      %dma_start3A_416 = arith.constant 0 : i32
      %dma_start3A_417 = tpu.memref_slice %arg10[%min3A_410, %dma_start3A_416] : memref<128x64xi32, #tpu.memory_space<vmem>> -> memref<1x56xi32, #tpu.memory_space<vmem>>
      %dma_start3A_418 = tpu.memref_squeeze %dma_start3A_417 : memref<1x56xi32, #tpu.memory_space<vmem>> -> memref<56xi32, #tpu.memory_space<vmem>>
      %dma_start3A_419 = arith.constant 0 : i32
      %dma_start3A_420 = arith.constant 0 : i32
      %dma_start3A_421 = tpu.memref_slice %arg2[%dma_start3A_419, %dma_start3A_420] : memref<100000x32xi32, #tpu.memory_space<hbm>> -> memref<100000x32xi32, #tpu.memory_space<hbm>>
      tpu.enqueue_indirect_dma source(%dma_start3A_421 : memref<100000x32xi32, #tpu.memory_space<hbm>>) target(%dma_start3A_415 : memref<56x32xi32, #tpu.memory_space<vmem>>) offsets(%dma_start3A_418 : memref<56xi32, #tpu.memory_space<vmem>>) semaphore(%arg16 : memref<!tpu.dma_semaphore, #tpu.memory_space<semaphore_mem>>)
      %mul3A_422 = arith.constant 8 : i32
      %mul3A_423 = arith.muli %scan3A_242, %mul3A_422 : i32
      %add3A_424 = arith.constant 3 : i32
      %add3A_425 = arith.addi %mul3A_423, %add3A_424 : i32
      %min3A_426 = arith.constant 127 : i32
      %min3A_427 = arith.minsi %add3A_425, %min3A_426 : i32
      %dma_wait3A_428 = arith.constant 3 : i32
      %dma_wait3A_429 = arith.constant 0 : i32
      %dma_wait3A_430 = arith.constant 0 : i32
      %dma_wait3A_431 = tpu.memref_slice %arg13[%dma_wait3A_428, %dma_wait3A_429, %dma_wait3A_430] : memref<8x56x32xi32, #tpu.memory_space<vmem>> -> memref<1x56x32xi32, #tpu.memory_space<vmem>>
      %dma_wait3A_432 = tpu.memref_squeeze %dma_wait3A_431 : memref<1x56x32xi32, #tpu.memory_space<vmem>> -> memref<56x32xi32, #tpu.memory_space<vmem>>
      %dma_wait3A_433 = arith.constant 0 : i32
      %dma_wait3A_434 = tpu.memref_slice %arg10[%min3A_427, %dma_wait3A_433] : memref<128x64xi32, #tpu.memory_space<vmem>> -> memref<1x56xi32, #tpu.memory_space<vmem>>
      %dma_wait3A_435 = tpu.memref_squeeze %dma_wait3A_434 : memref<1x56xi32, #tpu.memory_space<vmem>> -> memref<56xi32, #tpu.memory_space<vmem>>
      %dma_wait3A_436 = arith.constant 0 : i32
      %dma_wait3A_437 = arith.constant 0 : i32
      %dma_wait3A_438 = tpu.memref_slice %arg2[%dma_wait3A_436, %dma_wait3A_437] : memref<100000x32xi32, #tpu.memory_space<hbm>> -> memref<100000x32xi32, #tpu.memory_space<hbm>>
      tpu.wait_indirect_dma semaphore(%arg17 : memref<!tpu.dma_semaphore, #tpu.memory_space<semaphore_mem>>) src(%dma_wait3A_438 : memref<100000x32xi32, #tpu.memory_space<hbm>>) dst(%dma_wait3A_432 : memref<56x32xi32, #tpu.memory_space<vmem>>)
      %broadcast_in_dim3A_439 = arith.constant 0.000000e+00 : f32
      %broadcast_in_dim3A_440 = vector.broadcast %broadcast_in_dim3A_439 : f32 to vector<16xf32>
      %scan3A_441 = arith.constant 0 : i32
      %scan3A_442 = arith.constant 50 : i32
      %scan3A_443 = arith.addi %scan3A_441, %scan3A_442 : i32
      %scan3A_444 = arith.constant 1 : i32
      %scan3A_445:4 = scf.for %scan3A_722 = %scan3A_441 to %scan3A_443 step %scan3A_444 iter_args(%scan3A_723 = %broadcast_in_dim3A_440, %scan3A_724 = %broadcast_in_dim3A_440, %scan3A_725 = %broadcast_in_dim3A_440, %scan3A_726 = %broadcast_in_dim3A_440) -> (vector<16xf32>, vector<16xf32>, vector<16xf32>, vector<16xf32>)  : i32 {
        %get3A = arith.constant 3 : i32
        %get3A_727 = arith.index_cast %get3A : i32 to index
        %get3A_728 = arith.index_cast %scan3A_722 : i32 to index
        %get3A_729 = arith.constant 0 : index
        %get3A_730 = tpu.vector_load %arg13[%get3A_727, %get3A_728, %get3A_729] {strides = array<i32>} : memref<8x56x32xi32, #tpu.memory_space<vmem>>, vector<1x1x16xi32>,
        %get3A_731 = vector.shape_cast %get3A_730 : vector<1x1x16xi32> to vector<16xi32>
        %get3A_732 = arith.constant 3 : i32
        %get3A_733 = arith.index_cast %get3A_732 : i32 to index
        %get3A_734 = arith.index_cast %scan3A_722 : i32 to index
        %get3A_735 = arith.constant 16 : index
        %get3A_736 = tpu.vector_load %arg13[%get3A_733, %get3A_734, %get3A_735] {strides = array<i32>} : memref<8x56x32xi32, #tpu.memory_space<vmem>>, vector<1x1x16xi32>,
        %get3A_737 = vector.shape_cast %get3A_736 : vector<1x1x16xi32> to vector<16xi32>
        %shift_left3A = arith.constant 16 : i32
        %shift_left3A_738 = vector.broadcast %shift_left3A : i32 to vector<16xi32>
        %shift_left3A_739 = arith.shli %get3A_731, %shift_left3A_738 : vector<16xi32>
        %bitcast_convert_type3A = tpu.bitcast %shift_left3A_739 : vector<16xi32> -> vector<16xf32>
        %add3A_740 = arith.addf %scan3A_723, %bitcast_convert_type3A : vector<16xf32>
        %and3A = arith.andi %get3A_731, %broadcast_in_dim3A_121 : vector<16xi32>
        %bitcast_convert_type3A_741 = tpu.bitcast %and3A : vector<16xi32> -> vector<16xf32>
        %add3A_742 = arith.addf %scan3A_724, %bitcast_convert_type3A_741 : vector<16xf32>
        %shift_left3A_743 = arith.constant 16 : i32
        %shift_left3A_744 = vector.broadcast %shift_left3A_743 : i32 to vector<16xi32>
        %shift_left3A_745 = arith.shli %get3A_737, %shift_left3A_744 : vector<16xi32>
        %bitcast_convert_type3A_746 = tpu.bitcast %shift_left3A_745 : vector<16xi32> -> vector<16xf32>
        %add3A_747 = arith.addf %scan3A_725, %bitcast_convert_type3A_746 : vector<16xf32>
        %and3A_748 = arith.andi %get3A_737, %broadcast_in_dim3A_121 : vector<16xi32>
        %bitcast_convert_type3A_749 = tpu.bitcast %and3A_748 : vector<16xi32> -> vector<16xf32>
        %add3A_750 = arith.addf %scan3A_726, %bitcast_convert_type3A_749 : vector<16xf32>
        scf.yield %add3A_740, %add3A_742, %add3A_747, %add3A_750 : vector<16xf32>, vector<16xf32>, vector<16xf32>, vector<16xf32>
      }
      %scan3A_446 = arith.constant 50 : i32
      %swap3A_447 = arith.index_cast %add3A_425 : i32 to index
      %swap3A_448 = arith.constant 0 : index
      %swap3A_449 = tpu.vector_load %arg12[%swap3A_447, %swap3A_448] {strides = array<i32>} : memref<128x64xf32, #tpu.memory_space<vmem>>, vector<1x16xf32>,
      %swap3A_450 = vector.shape_cast %swap3A_449 : vector<1x16xf32> to vector<16xf32>
      %swap3A_451 = vector.shape_cast %scan3A_445#0 : vector<16xf32> to vector<1x16xf32>
      tpu.vector_store %arg12[%swap3A_447, %swap3A_448], %swap3A_451 {strides = array<i32>} : memref<128x64xf32, #tpu.memory_space<vmem>>, vector<1x16xf32>,
      %swap3A_452 = arith.index_cast %add3A_425 : i32 to index
      %swap3A_453 = arith.constant 16 : index
      %swap3A_454 = tpu.vector_load %arg12[%swap3A_452, %swap3A_453] {strides = array<i32>} : memref<128x64xf32, #tpu.memory_space<vmem>>, vector<1x16xf32>,
      %swap3A_455 = vector.shape_cast %swap3A_454 : vector<1x16xf32> to vector<16xf32>
      %swap3A_456 = vector.shape_cast %scan3A_445#1 : vector<16xf32> to vector<1x16xf32>
      tpu.vector_store %arg12[%swap3A_452, %swap3A_453], %swap3A_456 {strides = array<i32>} : memref<128x64xf32, #tpu.memory_space<vmem>>, vector<1x16xf32>,
      %swap3A_457 = arith.index_cast %add3A_425 : i32 to index
      %swap3A_458 = arith.constant 32 : index
      %swap3A_459 = tpu.vector_load %arg12[%swap3A_457, %swap3A_458] {strides = array<i32>} : memref<128x64xf32, #tpu.memory_space<vmem>>, vector<1x16xf32>,
      %swap3A_460 = vector.shape_cast %swap3A_459 : vector<1x16xf32> to vector<16xf32>
      %swap3A_461 = vector.shape_cast %scan3A_445#2 : vector<16xf32> to vector<1x16xf32>
      tpu.vector_store %arg12[%swap3A_457, %swap3A_458], %swap3A_461 {strides = array<i32>} : memref<128x64xf32, #tpu.memory_space<vmem>>, vector<1x16xf32>,
      %swap3A_462 = arith.index_cast %add3A_425 : i32 to index
      %swap3A_463 = arith.constant 48 : index
      %swap3A_464 = tpu.vector_load %arg12[%swap3A_462, %swap3A_463] {strides = array<i32>} : memref<128x64xf32, #tpu.memory_space<vmem>>, vector<1x16xf32>,
      %swap3A_465 = vector.shape_cast %swap3A_464 : vector<1x16xf32> to vector<16xf32>
      %swap3A_466 = vector.shape_cast %scan3A_445#3 : vector<16xf32> to vector<1x16xf32>
      tpu.vector_store %arg12[%swap3A_462, %swap3A_463], %swap3A_466 {strides = array<i32>} : memref<128x64xf32, #tpu.memory_space<vmem>>, vector<1x16xf32>,
      %add3A_467 = arith.constant 8 : i32
      %add3A_468 = arith.addi %add3A_425, %add3A_467 : i32
      %min3A_469 = arith.constant 127 : i32
      %min3A_470 = arith.minsi %add3A_468, %min3A_469 : i32
      %dma_start3A_471 = arith.constant 3 : i32
      %dma_start3A_472 = arith.constant 0 : i32
      %dma_start3A_473 = arith.constant 0 : i32
      %dma_start3A_474 = tpu.memref_slice %arg13[%dma_start3A_471, %dma_start3A_472, %dma_start3A_473] : memref<8x56x32xi32, #tpu.memory_space<vmem>> -> memref<1x56x32xi32, #tpu.memory_space<vmem>>
      %dma_start3A_475 = tpu.memref_squeeze %dma_start3A_474 : memref<1x56x32xi32, #tpu.memory_space<vmem>> -> memref<56x32xi32, #tpu.memory_space<vmem>>
      %dma_start3A_476 = arith.constant 0 : i32
      %dma_start3A_477 = tpu.memref_slice %arg10[%min3A_470, %dma_start3A_476] : memref<128x64xi32, #tpu.memory_space<vmem>> -> memref<1x56xi32, #tpu.memory_space<vmem>>
      %dma_start3A_478 = tpu.memref_squeeze %dma_start3A_477 : memref<1x56xi32, #tpu.memory_space<vmem>> -> memref<56xi32, #tpu.memory_space<vmem>>
      %dma_start3A_479 = arith.constant 0 : i32
      %dma_start3A_480 = arith.constant 0 : i32
      %dma_start3A_481 = tpu.memref_slice %arg2[%dma_start3A_479, %dma_start3A_480] : memref<100000x32xi32, #tpu.memory_space<hbm>> -> memref<100000x32xi32, #tpu.memory_space<hbm>>
      tpu.enqueue_indirect_dma source(%dma_start3A_481 : memref<100000x32xi32, #tpu.memory_space<hbm>>) target(%dma_start3A_475 : memref<56x32xi32, #tpu.memory_space<vmem>>) offsets(%dma_start3A_478 : memref<56xi32, #tpu.memory_space<vmem>>) semaphore(%arg17 : memref<!tpu.dma_semaphore, #tpu.memory_space<semaphore_mem>>)
      %mul3A_482 = arith.constant 8 : i32
      %mul3A_483 = arith.muli %scan3A_242, %mul3A_482 : i32
      %add3A_484 = arith.constant 4 : i32
      %add3A_485 = arith.addi %mul3A_483, %add3A_484 : i32
      %min3A_486 = arith.constant 127 : i32
      %min3A_487 = arith.minsi %add3A_485, %min3A_486 : i32
      %dma_wait3A_488 = arith.constant 4 : i32
      %dma_wait3A_489 = arith.constant 0 : i32
      %dma_wait3A_490 = arith.constant 0 : i32
      %dma_wait3A_491 = tpu.memref_slice %arg13[%dma_wait3A_488, %dma_wait3A_489, %dma_wait3A_490] : memref<8x56x32xi32, #tpu.memory_space<vmem>> -> memref<1x56x32xi32, #tpu.memory_space<vmem>>
      %dma_wait3A_492 = tpu.memref_squeeze %dma_wait3A_491 : memref<1x56x32xi32, #tpu.memory_space<vmem>> -> memref<56x32xi32, #tpu.memory_space<vmem>>
      %dma_wait3A_493 = arith.constant 0 : i32
      %dma_wait3A_494 = tpu.memref_slice %arg10[%min3A_487, %dma_wait3A_493] : memref<128x64xi32, #tpu.memory_space<vmem>> -> memref<1x56xi32, #tpu.memory_space<vmem>>
      %dma_wait3A_495 = tpu.memref_squeeze %dma_wait3A_494 : memref<1x56xi32, #tpu.memory_space<vmem>> -> memref<56xi32, #tpu.memory_space<vmem>>
      %dma_wait3A_496 = arith.constant 0 : i32
      %dma_wait3A_497 = arith.constant 0 : i32
      %dma_wait3A_498 = tpu.memref_slice %arg2[%dma_wait3A_496, %dma_wait3A_497] : memref<100000x32xi32, #tpu.memory_space<hbm>> -> memref<100000x32xi32, #tpu.memory_space<hbm>>
      tpu.wait_indirect_dma semaphore(%arg18 : memref<!tpu.dma_semaphore, #tpu.memory_space<semaphore_mem>>) src(%dma_wait3A_498 : memref<100000x32xi32, #tpu.memory_space<hbm>>) dst(%dma_wait3A_492 : memref<56x32xi32, #tpu.memory_space<vmem>>)
      %broadcast_in_dim3A_499 = arith.constant 0.000000e+00 : f32
      %broadcast_in_dim3A_500 = vector.broadcast %broadcast_in_dim3A_499 : f32 to vector<16xf32>
      %scan3A_501 = arith.constant 0 : i32
      %scan3A_502 = arith.constant 50 : i32
      %scan3A_503 = arith.addi %scan3A_501, %scan3A_502 : i32
      %scan3A_504 = arith.constant 1 : i32
      %scan3A_505:4 = scf.for %scan3A_722 = %scan3A_501 to %scan3A_503 step %scan3A_504 iter_args(%scan3A_723 = %broadcast_in_dim3A_500, %scan3A_724 = %broadcast_in_dim3A_500, %scan3A_725 = %broadcast_in_dim3A_500, %scan3A_726 = %broadcast_in_dim3A_500) -> (vector<16xf32>, vector<16xf32>, vector<16xf32>, vector<16xf32>)  : i32 {
        %get3A = arith.constant 4 : i32
        %get3A_727 = arith.index_cast %get3A : i32 to index
        %get3A_728 = arith.index_cast %scan3A_722 : i32 to index
        %get3A_729 = arith.constant 0 : index
        %get3A_730 = tpu.vector_load %arg13[%get3A_727, %get3A_728, %get3A_729] {strides = array<i32>} : memref<8x56x32xi32, #tpu.memory_space<vmem>>, vector<1x1x16xi32>,
        %get3A_731 = vector.shape_cast %get3A_730 : vector<1x1x16xi32> to vector<16xi32>
        %get3A_732 = arith.constant 4 : i32
        %get3A_733 = arith.index_cast %get3A_732 : i32 to index
        %get3A_734 = arith.index_cast %scan3A_722 : i32 to index
        %get3A_735 = arith.constant 16 : index
        %get3A_736 = tpu.vector_load %arg13[%get3A_733, %get3A_734, %get3A_735] {strides = array<i32>} : memref<8x56x32xi32, #tpu.memory_space<vmem>>, vector<1x1x16xi32>,
        %get3A_737 = vector.shape_cast %get3A_736 : vector<1x1x16xi32> to vector<16xi32>
        %shift_left3A = arith.constant 16 : i32
        %shift_left3A_738 = vector.broadcast %shift_left3A : i32 to vector<16xi32>
        %shift_left3A_739 = arith.shli %get3A_731, %shift_left3A_738 : vector<16xi32>
        %bitcast_convert_type3A = tpu.bitcast %shift_left3A_739 : vector<16xi32> -> vector<16xf32>
        %add3A_740 = arith.addf %scan3A_723, %bitcast_convert_type3A : vector<16xf32>
        %and3A = arith.andi %get3A_731, %broadcast_in_dim3A_121 : vector<16xi32>
        %bitcast_convert_type3A_741 = tpu.bitcast %and3A : vector<16xi32> -> vector<16xf32>
        %add3A_742 = arith.addf %scan3A_724, %bitcast_convert_type3A_741 : vector<16xf32>
        %shift_left3A_743 = arith.constant 16 : i32
        %shift_left3A_744 = vector.broadcast %shift_left3A_743 : i32 to vector<16xi32>
        %shift_left3A_745 = arith.shli %get3A_737, %shift_left3A_744 : vector<16xi32>
        %bitcast_convert_type3A_746 = tpu.bitcast %shift_left3A_745 : vector<16xi32> -> vector<16xf32>
        %add3A_747 = arith.addf %scan3A_725, %bitcast_convert_type3A_746 : vector<16xf32>
        %and3A_748 = arith.andi %get3A_737, %broadcast_in_dim3A_121 : vector<16xi32>
        %bitcast_convert_type3A_749 = tpu.bitcast %and3A_748 : vector<16xi32> -> vector<16xf32>
        %add3A_750 = arith.addf %scan3A_726, %bitcast_convert_type3A_749 : vector<16xf32>
        scf.yield %add3A_740, %add3A_742, %add3A_747, %add3A_750 : vector<16xf32>, vector<16xf32>, vector<16xf32>, vector<16xf32>
      }
      %scan3A_506 = arith.constant 50 : i32
      %swap3A_507 = arith.index_cast %add3A_485 : i32 to index
      %swap3A_508 = arith.constant 0 : index
      %swap3A_509 = tpu.vector_load %arg12[%swap3A_507, %swap3A_508] {strides = array<i32>} : memref<128x64xf32, #tpu.memory_space<vmem>>, vector<1x16xf32>,
      %swap3A_510 = vector.shape_cast %swap3A_509 : vector<1x16xf32> to vector<16xf32>
      %swap3A_511 = vector.shape_cast %scan3A_505#0 : vector<16xf32> to vector<1x16xf32>
      tpu.vector_store %arg12[%swap3A_507, %swap3A_508], %swap3A_511 {strides = array<i32>} : memref<128x64xf32, #tpu.memory_space<vmem>>, vector<1x16xf32>,
      %swap3A_512 = arith.index_cast %add3A_485 : i32 to index
      %swap3A_513 = arith.constant 16 : index
      %swap3A_514 = tpu.vector_load %arg12[%swap3A_512, %swap3A_513] {strides = array<i32>} : memref<128x64xf32, #tpu.memory_space<vmem>>, vector<1x16xf32>,
      %swap3A_515 = vector.shape_cast %swap3A_514 : vector<1x16xf32> to vector<16xf32>
      %swap3A_516 = vector.shape_cast %scan3A_505#1 : vector<16xf32> to vector<1x16xf32>
      tpu.vector_store %arg12[%swap3A_512, %swap3A_513], %swap3A_516 {strides = array<i32>} : memref<128x64xf32, #tpu.memory_space<vmem>>, vector<1x16xf32>,
      %swap3A_517 = arith.index_cast %add3A_485 : i32 to index
      %swap3A_518 = arith.constant 32 : index
      %swap3A_519 = tpu.vector_load %arg12[%swap3A_517, %swap3A_518] {strides = array<i32>} : memref<128x64xf32, #tpu.memory_space<vmem>>, vector<1x16xf32>,
      %swap3A_520 = vector.shape_cast %swap3A_519 : vector<1x16xf32> to vector<16xf32>
      %swap3A_521 = vector.shape_cast %scan3A_505#2 : vector<16xf32> to vector<1x16xf32>
      tpu.vector_store %arg12[%swap3A_517, %swap3A_518], %swap3A_521 {strides = array<i32>} : memref<128x64xf32, #tpu.memory_space<vmem>>, vector<1x16xf32>,
      %swap3A_522 = arith.index_cast %add3A_485 : i32 to index
      %swap3A_523 = arith.constant 48 : index
      %swap3A_524 = tpu.vector_load %arg12[%swap3A_522, %swap3A_523] {strides = array<i32>} : memref<128x64xf32, #tpu.memory_space<vmem>>, vector<1x16xf32>,
      %swap3A_525 = vector.shape_cast %swap3A_524 : vector<1x16xf32> to vector<16xf32>
      %swap3A_526 = vector.shape_cast %scan3A_505#3 : vector<16xf32> to vector<1x16xf32>
      tpu.vector_store %arg12[%swap3A_522, %swap3A_523], %swap3A_526 {strides = array<i32>} : memref<128x64xf32, #tpu.memory_space<vmem>>, vector<1x16xf32>,
      %add3A_527 = arith.constant 8 : i32
      %add3A_528 = arith.addi %add3A_485, %add3A_527 : i32
      %min3A_529 = arith.constant 127 : i32
      %min3A_530 = arith.minsi %add3A_528, %min3A_529 : i32
      %dma_start3A_531 = arith.constant 4 : i32
      %dma_start3A_532 = arith.constant 0 : i32
      %dma_start3A_533 = arith.constant 0 : i32
      %dma_start3A_534 = tpu.memref_slice %arg13[%dma_start3A_531, %dma_start3A_532, %dma_start3A_533] : memref<8x56x32xi32, #tpu.memory_space<vmem>> -> memref<1x56x32xi32, #tpu.memory_space<vmem>>
      %dma_start3A_535 = tpu.memref_squeeze %dma_start3A_534 : memref<1x56x32xi32, #tpu.memory_space<vmem>> -> memref<56x32xi32, #tpu.memory_space<vmem>>
      %dma_start3A_536 = arith.constant 0 : i32
      %dma_start3A_537 = tpu.memref_slice %arg10[%min3A_530, %dma_start3A_536] : memref<128x64xi32, #tpu.memory_space<vmem>> -> memref<1x56xi32, #tpu.memory_space<vmem>>
      %dma_start3A_538 = tpu.memref_squeeze %dma_start3A_537 : memref<1x56xi32, #tpu.memory_space<vmem>> -> memref<56xi32, #tpu.memory_space<vmem>>
      %dma_start3A_539 = arith.constant 0 : i32
      %dma_start3A_540 = arith.constant 0 : i32
      %dma_start3A_541 = tpu.memref_slice %arg2[%dma_start3A_539, %dma_start3A_540] : memref<100000x32xi32, #tpu.memory_space<hbm>> -> memref<100000x32xi32, #tpu.memory_space<hbm>>
      tpu.enqueue_indirect_dma source(%dma_start3A_541 : memref<100000x32xi32, #tpu.memory_space<hbm>>) target(%dma_start3A_535 : memref<56x32xi32, #tpu.memory_space<vmem>>) offsets(%dma_start3A_538 : memref<56xi32, #tpu.memory_space<vmem>>) semaphore(%arg18 : memref<!tpu.dma_semaphore, #tpu.memory_space<semaphore_mem>>)
      %mul3A_542 = arith.constant 8 : i32
      %mul3A_543 = arith.muli %scan3A_242, %mul3A_542 : i32
      %add3A_544 = arith.constant 5 : i32
      %add3A_545 = arith.addi %mul3A_543, %add3A_544 : i32
      %min3A_546 = arith.constant 127 : i32
      %min3A_547 = arith.minsi %add3A_545, %min3A_546 : i32
      %dma_wait3A_548 = arith.constant 5 : i32
      %dma_wait3A_549 = arith.constant 0 : i32
      %dma_wait3A_550 = arith.constant 0 : i32
      %dma_wait3A_551 = tpu.memref_slice %arg13[%dma_wait3A_548, %dma_wait3A_549, %dma_wait3A_550] : memref<8x56x32xi32, #tpu.memory_space<vmem>> -> memref<1x56x32xi32, #tpu.memory_space<vmem>>
      %dma_wait3A_552 = tpu.memref_squeeze %dma_wait3A_551 : memref<1x56x32xi32, #tpu.memory_space<vmem>> -> memref<56x32xi32, #tpu.memory_space<vmem>>
      %dma_wait3A_553 = arith.constant 0 : i32
      %dma_wait3A_554 = tpu.memref_slice %arg10[%min3A_547, %dma_wait3A_553] : memref<128x64xi32, #tpu.memory_space<vmem>> -> memref<1x56xi32, #tpu.memory_space<vmem>>
      %dma_wait3A_555 = tpu.memref_squeeze %dma_wait3A_554 : memref<1x56xi32, #tpu.memory_space<vmem>> -> memref<56xi32, #tpu.memory_space<vmem>>
      %dma_wait3A_556 = arith.constant 0 : i32
      %dma_wait3A_557 = arith.constant 0 : i32
      %dma_wait3A_558 = tpu.memref_slice %arg2[%dma_wait3A_556, %dma_wait3A_557] : memref<100000x32xi32, #tpu.memory_space<hbm>> -> memref<100000x32xi32, #tpu.memory_space<hbm>>
      tpu.wait_indirect_dma semaphore(%arg19 : memref<!tpu.dma_semaphore, #tpu.memory_space<semaphore_mem>>) src(%dma_wait3A_558 : memref<100000x32xi32, #tpu.memory_space<hbm>>) dst(%dma_wait3A_552 : memref<56x32xi32, #tpu.memory_space<vmem>>)
      %broadcast_in_dim3A_559 = arith.constant 0.000000e+00 : f32
      %broadcast_in_dim3A_560 = vector.broadcast %broadcast_in_dim3A_559 : f32 to vector<16xf32>
      %scan3A_561 = arith.constant 0 : i32
      %scan3A_562 = arith.constant 50 : i32
      %scan3A_563 = arith.addi %scan3A_561, %scan3A_562 : i32
      %scan3A_564 = arith.constant 1 : i32
      %scan3A_565:4 = scf.for %scan3A_722 = %scan3A_561 to %scan3A_563 step %scan3A_564 iter_args(%scan3A_723 = %broadcast_in_dim3A_560, %scan3A_724 = %broadcast_in_dim3A_560, %scan3A_725 = %broadcast_in_dim3A_560, %scan3A_726 = %broadcast_in_dim3A_560) -> (vector<16xf32>, vector<16xf32>, vector<16xf32>, vector<16xf32>)  : i32 {
        %get3A = arith.constant 5 : i32
        %get3A_727 = arith.index_cast %get3A : i32 to index
        %get3A_728 = arith.index_cast %scan3A_722 : i32 to index
        %get3A_729 = arith.constant 0 : index
        %get3A_730 = tpu.vector_load %arg13[%get3A_727, %get3A_728, %get3A_729] {strides = array<i32>} : memref<8x56x32xi32, #tpu.memory_space<vmem>>, vector<1x1x16xi32>,
        %get3A_731 = vector.shape_cast %get3A_730 : vector<1x1x16xi32> to vector<16xi32>
        %get3A_732 = arith.constant 5 : i32
        %get3A_733 = arith.index_cast %get3A_732 : i32 to index
        %get3A_734 = arith.index_cast %scan3A_722 : i32 to index
        %get3A_735 = arith.constant 16 : index
        %get3A_736 = tpu.vector_load %arg13[%get3A_733, %get3A_734, %get3A_735] {strides = array<i32>} : memref<8x56x32xi32, #tpu.memory_space<vmem>>, vector<1x1x16xi32>,
        %get3A_737 = vector.shape_cast %get3A_736 : vector<1x1x16xi32> to vector<16xi32>
        %shift_left3A = arith.constant 16 : i32
        %shift_left3A_738 = vector.broadcast %shift_left3A : i32 to vector<16xi32>
        %shift_left3A_739 = arith.shli %get3A_731, %shift_left3A_738 : vector<16xi32>
        %bitcast_convert_type3A = tpu.bitcast %shift_left3A_739 : vector<16xi32> -> vector<16xf32>
        %add3A_740 = arith.addf %scan3A_723, %bitcast_convert_type3A : vector<16xf32>
        %and3A = arith.andi %get3A_731, %broadcast_in_dim3A_121 : vector<16xi32>
        %bitcast_convert_type3A_741 = tpu.bitcast %and3A : vector<16xi32> -> vector<16xf32>
        %add3A_742 = arith.addf %scan3A_724, %bitcast_convert_type3A_741 : vector<16xf32>
        %shift_left3A_743 = arith.constant 16 : i32
        %shift_left3A_744 = vector.broadcast %shift_left3A_743 : i32 to vector<16xi32>
        %shift_left3A_745 = arith.shli %get3A_737, %shift_left3A_744 : vector<16xi32>
        %bitcast_convert_type3A_746 = tpu.bitcast %shift_left3A_745 : vector<16xi32> -> vector<16xf32>
        %add3A_747 = arith.addf %scan3A_725, %bitcast_convert_type3A_746 : vector<16xf32>
        %and3A_748 = arith.andi %get3A_737, %broadcast_in_dim3A_121 : vector<16xi32>
        %bitcast_convert_type3A_749 = tpu.bitcast %and3A_748 : vector<16xi32> -> vector<16xf32>
        %add3A_750 = arith.addf %scan3A_726, %bitcast_convert_type3A_749 : vector<16xf32>
        scf.yield %add3A_740, %add3A_742, %add3A_747, %add3A_750 : vector<16xf32>, vector<16xf32>, vector<16xf32>, vector<16xf32>
      }
      %scan3A_566 = arith.constant 50 : i32
      %swap3A_567 = arith.index_cast %add3A_545 : i32 to index
      %swap3A_568 = arith.constant 0 : index
      %swap3A_569 = tpu.vector_load %arg12[%swap3A_567, %swap3A_568] {strides = array<i32>} : memref<128x64xf32, #tpu.memory_space<vmem>>, vector<1x16xf32>,
      %swap3A_570 = vector.shape_cast %swap3A_569 : vector<1x16xf32> to vector<16xf32>
      %swap3A_571 = vector.shape_cast %scan3A_565#0 : vector<16xf32> to vector<1x16xf32>
      tpu.vector_store %arg12[%swap3A_567, %swap3A_568], %swap3A_571 {strides = array<i32>} : memref<128x64xf32, #tpu.memory_space<vmem>>, vector<1x16xf32>,
      %swap3A_572 = arith.index_cast %add3A_545 : i32 to index
      %swap3A_573 = arith.constant 16 : index
      %swap3A_574 = tpu.vector_load %arg12[%swap3A_572, %swap3A_573] {strides = array<i32>} : memref<128x64xf32, #tpu.memory_space<vmem>>, vector<1x16xf32>,
      %swap3A_575 = vector.shape_cast %swap3A_574 : vector<1x16xf32> to vector<16xf32>
      %swap3A_576 = vector.shape_cast %scan3A_565#1 : vector<16xf32> to vector<1x16xf32>
      tpu.vector_store %arg12[%swap3A_572, %swap3A_573], %swap3A_576 {strides = array<i32>} : memref<128x64xf32, #tpu.memory_space<vmem>>, vector<1x16xf32>,
      %swap3A_577 = arith.index_cast %add3A_545 : i32 to index
      %swap3A_578 = arith.constant 32 : index
      %swap3A_579 = tpu.vector_load %arg12[%swap3A_577, %swap3A_578] {strides = array<i32>} : memref<128x64xf32, #tpu.memory_space<vmem>>, vector<1x16xf32>,
      %swap3A_580 = vector.shape_cast %swap3A_579 : vector<1x16xf32> to vector<16xf32>
      %swap3A_581 = vector.shape_cast %scan3A_565#2 : vector<16xf32> to vector<1x16xf32>
      tpu.vector_store %arg12[%swap3A_577, %swap3A_578], %swap3A_581 {strides = array<i32>} : memref<128x64xf32, #tpu.memory_space<vmem>>, vector<1x16xf32>,
      %swap3A_582 = arith.index_cast %add3A_545 : i32 to index
      %swap3A_583 = arith.constant 48 : index
      %swap3A_584 = tpu.vector_load %arg12[%swap3A_582, %swap3A_583] {strides = array<i32>} : memref<128x64xf32, #tpu.memory_space<vmem>>, vector<1x16xf32>,
      %swap3A_585 = vector.shape_cast %swap3A_584 : vector<1x16xf32> to vector<16xf32>
      %swap3A_586 = vector.shape_cast %scan3A_565#3 : vector<16xf32> to vector<1x16xf32>
      tpu.vector_store %arg12[%swap3A_582, %swap3A_583], %swap3A_586 {strides = array<i32>} : memref<128x64xf32, #tpu.memory_space<vmem>>, vector<1x16xf32>,
      %add3A_587 = arith.constant 8 : i32
      %add3A_588 = arith.addi %add3A_545, %add3A_587 : i32
      %min3A_589 = arith.constant 127 : i32
      %min3A_590 = arith.minsi %add3A_588, %min3A_589 : i32
      %dma_start3A_591 = arith.constant 5 : i32
      %dma_start3A_592 = arith.constant 0 : i32
      %dma_start3A_593 = arith.constant 0 : i32
      %dma_start3A_594 = tpu.memref_slice %arg13[%dma_start3A_591, %dma_start3A_592, %dma_start3A_593] : memref<8x56x32xi32, #tpu.memory_space<vmem>> -> memref<1x56x32xi32, #tpu.memory_space<vmem>>
      %dma_start3A_595 = tpu.memref_squeeze %dma_start3A_594 : memref<1x56x32xi32, #tpu.memory_space<vmem>> -> memref<56x32xi32, #tpu.memory_space<vmem>>
      %dma_start3A_596 = arith.constant 0 : i32
      %dma_start3A_597 = tpu.memref_slice %arg10[%min3A_590, %dma_start3A_596] : memref<128x64xi32, #tpu.memory_space<vmem>> -> memref<1x56xi32, #tpu.memory_space<vmem>>
      %dma_start3A_598 = tpu.memref_squeeze %dma_start3A_597 : memref<1x56xi32, #tpu.memory_space<vmem>> -> memref<56xi32, #tpu.memory_space<vmem>>
      %dma_start3A_599 = arith.constant 0 : i32
      %dma_start3A_600 = arith.constant 0 : i32
      %dma_start3A_601 = tpu.memref_slice %arg2[%dma_start3A_599, %dma_start3A_600] : memref<100000x32xi32, #tpu.memory_space<hbm>> -> memref<100000x32xi32, #tpu.memory_space<hbm>>
      tpu.enqueue_indirect_dma source(%dma_start3A_601 : memref<100000x32xi32, #tpu.memory_space<hbm>>) target(%dma_start3A_595 : memref<56x32xi32, #tpu.memory_space<vmem>>) offsets(%dma_start3A_598 : memref<56xi32, #tpu.memory_space<vmem>>) semaphore(%arg19 : memref<!tpu.dma_semaphore, #tpu.memory_space<semaphore_mem>>)
      %mul3A_602 = arith.constant 8 : i32
      %mul3A_603 = arith.muli %scan3A_242, %mul3A_602 : i32
      %add3A_604 = arith.constant 6 : i32
      %add3A_605 = arith.addi %mul3A_603, %add3A_604 : i32
      %min3A_606 = arith.constant 127 : i32
      %min3A_607 = arith.minsi %add3A_605, %min3A_606 : i32
      %dma_wait3A_608 = arith.constant 6 : i32
      %dma_wait3A_609 = arith.constant 0 : i32
      %dma_wait3A_610 = arith.constant 0 : i32
      %dma_wait3A_611 = tpu.memref_slice %arg13[%dma_wait3A_608, %dma_wait3A_609, %dma_wait3A_610] : memref<8x56x32xi32, #tpu.memory_space<vmem>> -> memref<1x56x32xi32, #tpu.memory_space<vmem>>
      %dma_wait3A_612 = tpu.memref_squeeze %dma_wait3A_611 : memref<1x56x32xi32, #tpu.memory_space<vmem>> -> memref<56x32xi32, #tpu.memory_space<vmem>>
      %dma_wait3A_613 = arith.constant 0 : i32
      %dma_wait3A_614 = tpu.memref_slice %arg10[%min3A_607, %dma_wait3A_613] : memref<128x64xi32, #tpu.memory_space<vmem>> -> memref<1x56xi32, #tpu.memory_space<vmem>>
      %dma_wait3A_615 = tpu.memref_squeeze %dma_wait3A_614 : memref<1x56xi32, #tpu.memory_space<vmem>> -> memref<56xi32, #tpu.memory_space<vmem>>
      %dma_wait3A_616 = arith.constant 0 : i32
      %dma_wait3A_617 = arith.constant 0 : i32
      %dma_wait3A_618 = tpu.memref_slice %arg2[%dma_wait3A_616, %dma_wait3A_617] : memref<100000x32xi32, #tpu.memory_space<hbm>> -> memref<100000x32xi32, #tpu.memory_space<hbm>>
      tpu.wait_indirect_dma semaphore(%arg20 : memref<!tpu.dma_semaphore, #tpu.memory_space<semaphore_mem>>) src(%dma_wait3A_618 : memref<100000x32xi32, #tpu.memory_space<hbm>>) dst(%dma_wait3A_612 : memref<56x32xi32, #tpu.memory_space<vmem>>)
      %broadcast_in_dim3A_619 = arith.constant 0.000000e+00 : f32
      %broadcast_in_dim3A_620 = vector.broadcast %broadcast_in_dim3A_619 : f32 to vector<16xf32>
      %scan3A_621 = arith.constant 0 : i32
      %scan3A_622 = arith.constant 50 : i32
      %scan3A_623 = arith.addi %scan3A_621, %scan3A_622 : i32
      %scan3A_624 = arith.constant 1 : i32
      %scan3A_625:4 = scf.for %scan3A_722 = %scan3A_621 to %scan3A_623 step %scan3A_624 iter_args(%scan3A_723 = %broadcast_in_dim3A_620, %scan3A_724 = %broadcast_in_dim3A_620, %scan3A_725 = %broadcast_in_dim3A_620, %scan3A_726 = %broadcast_in_dim3A_620) -> (vector<16xf32>, vector<16xf32>, vector<16xf32>, vector<16xf32>)  : i32 {
        %get3A = arith.constant 6 : i32
        %get3A_727 = arith.index_cast %get3A : i32 to index
        %get3A_728 = arith.index_cast %scan3A_722 : i32 to index
        %get3A_729 = arith.constant 0 : index
        %get3A_730 = tpu.vector_load %arg13[%get3A_727, %get3A_728, %get3A_729] {strides = array<i32>} : memref<8x56x32xi32, #tpu.memory_space<vmem>>, vector<1x1x16xi32>,
        %get3A_731 = vector.shape_cast %get3A_730 : vector<1x1x16xi32> to vector<16xi32>
        %get3A_732 = arith.constant 6 : i32
        %get3A_733 = arith.index_cast %get3A_732 : i32 to index
        %get3A_734 = arith.index_cast %scan3A_722 : i32 to index
        %get3A_735 = arith.constant 16 : index
        %get3A_736 = tpu.vector_load %arg13[%get3A_733, %get3A_734, %get3A_735] {strides = array<i32>} : memref<8x56x32xi32, #tpu.memory_space<vmem>>, vector<1x1x16xi32>,
        %get3A_737 = vector.shape_cast %get3A_736 : vector<1x1x16xi32> to vector<16xi32>
        %shift_left3A = arith.constant 16 : i32
        %shift_left3A_738 = vector.broadcast %shift_left3A : i32 to vector<16xi32>
        %shift_left3A_739 = arith.shli %get3A_731, %shift_left3A_738 : vector<16xi32>
        %bitcast_convert_type3A = tpu.bitcast %shift_left3A_739 : vector<16xi32> -> vector<16xf32>
        %add3A_740 = arith.addf %scan3A_723, %bitcast_convert_type3A : vector<16xf32>
        %and3A = arith.andi %get3A_731, %broadcast_in_dim3A_121 : vector<16xi32>
        %bitcast_convert_type3A_741 = tpu.bitcast %and3A : vector<16xi32> -> vector<16xf32>
        %add3A_742 = arith.addf %scan3A_724, %bitcast_convert_type3A_741 : vector<16xf32>
        %shift_left3A_743 = arith.constant 16 : i32
        %shift_left3A_744 = vector.broadcast %shift_left3A_743 : i32 to vector<16xi32>
        %shift_left3A_745 = arith.shli %get3A_737, %shift_left3A_744 : vector<16xi32>
        %bitcast_convert_type3A_746 = tpu.bitcast %shift_left3A_745 : vector<16xi32> -> vector<16xf32>
        %add3A_747 = arith.addf %scan3A_725, %bitcast_convert_type3A_746 : vector<16xf32>
        %and3A_748 = arith.andi %get3A_737, %broadcast_in_dim3A_121 : vector<16xi32>
        %bitcast_convert_type3A_749 = tpu.bitcast %and3A_748 : vector<16xi32> -> vector<16xf32>
        %add3A_750 = arith.addf %scan3A_726, %bitcast_convert_type3A_749 : vector<16xf32>
        scf.yield %add3A_740, %add3A_742, %add3A_747, %add3A_750 : vector<16xf32>, vector<16xf32>, vector<16xf32>, vector<16xf32>
      }
      %scan3A_626 = arith.constant 50 : i32
      %swap3A_627 = arith.index_cast %add3A_605 : i32 to index
      %swap3A_628 = arith.constant 0 : index
      %swap3A_629 = tpu.vector_load %arg12[%swap3A_627, %swap3A_628] {strides = array<i32>} : memref<128x64xf32, #tpu.memory_space<vmem>>, vector<1x16xf32>,
      %swap3A_630 = vector.shape_cast %swap3A_629 : vector<1x16xf32> to vector<16xf32>
      %swap3A_631 = vector.shape_cast %scan3A_625#0 : vector<16xf32> to vector<1x16xf32>
      tpu.vector_store %arg12[%swap3A_627, %swap3A_628], %swap3A_631 {strides = array<i32>} : memref<128x64xf32, #tpu.memory_space<vmem>>, vector<1x16xf32>,
      %swap3A_632 = arith.index_cast %add3A_605 : i32 to index
      %swap3A_633 = arith.constant 16 : index
      %swap3A_634 = tpu.vector_load %arg12[%swap3A_632, %swap3A_633] {strides = array<i32>} : memref<128x64xf32, #tpu.memory_space<vmem>>, vector<1x16xf32>,
      %swap3A_635 = vector.shape_cast %swap3A_634 : vector<1x16xf32> to vector<16xf32>
      %swap3A_636 = vector.shape_cast %scan3A_625#1 : vector<16xf32> to vector<1x16xf32>
      tpu.vector_store %arg12[%swap3A_632, %swap3A_633], %swap3A_636 {strides = array<i32>} : memref<128x64xf32, #tpu.memory_space<vmem>>, vector<1x16xf32>,
      %swap3A_637 = arith.index_cast %add3A_605 : i32 to index
      %swap3A_638 = arith.constant 32 : index
      %swap3A_639 = tpu.vector_load %arg12[%swap3A_637, %swap3A_638] {strides = array<i32>} : memref<128x64xf32, #tpu.memory_space<vmem>>, vector<1x16xf32>,
      %swap3A_640 = vector.shape_cast %swap3A_639 : vector<1x16xf32> to vector<16xf32>
      %swap3A_641 = vector.shape_cast %scan3A_625#2 : vector<16xf32> to vector<1x16xf32>
      tpu.vector_store %arg12[%swap3A_637, %swap3A_638], %swap3A_641 {strides = array<i32>} : memref<128x64xf32, #tpu.memory_space<vmem>>, vector<1x16xf32>,
      %swap3A_642 = arith.index_cast %add3A_605 : i32 to index
      %swap3A_643 = arith.constant 48 : index
      %swap3A_644 = tpu.vector_load %arg12[%swap3A_642, %swap3A_643] {strides = array<i32>} : memref<128x64xf32, #tpu.memory_space<vmem>>, vector<1x16xf32>,
      %swap3A_645 = vector.shape_cast %swap3A_644 : vector<1x16xf32> to vector<16xf32>
      %swap3A_646 = vector.shape_cast %scan3A_625#3 : vector<16xf32> to vector<1x16xf32>
      tpu.vector_store %arg12[%swap3A_642, %swap3A_643], %swap3A_646 {strides = array<i32>} : memref<128x64xf32, #tpu.memory_space<vmem>>, vector<1x16xf32>,
      %add3A_647 = arith.constant 8 : i32
      %add3A_648 = arith.addi %add3A_605, %add3A_647 : i32
      %min3A_649 = arith.constant 127 : i32
      %min3A_650 = arith.minsi %add3A_648, %min3A_649 : i32
      %dma_start3A_651 = arith.constant 6 : i32
      %dma_start3A_652 = arith.constant 0 : i32
      %dma_start3A_653 = arith.constant 0 : i32
      %dma_start3A_654 = tpu.memref_slice %arg13[%dma_start3A_651, %dma_start3A_652, %dma_start3A_653] : memref<8x56x32xi32, #tpu.memory_space<vmem>> -> memref<1x56x32xi32, #tpu.memory_space<vmem>>
      %dma_start3A_655 = tpu.memref_squeeze %dma_start3A_654 : memref<1x56x32xi32, #tpu.memory_space<vmem>> -> memref<56x32xi32, #tpu.memory_space<vmem>>
      %dma_start3A_656 = arith.constant 0 : i32
      %dma_start3A_657 = tpu.memref_slice %arg10[%min3A_650, %dma_start3A_656] : memref<128x64xi32, #tpu.memory_space<vmem>> -> memref<1x56xi32, #tpu.memory_space<vmem>>
      %dma_start3A_658 = tpu.memref_squeeze %dma_start3A_657 : memref<1x56xi32, #tpu.memory_space<vmem>> -> memref<56xi32, #tpu.memory_space<vmem>>
      %dma_start3A_659 = arith.constant 0 : i32
      %dma_start3A_660 = arith.constant 0 : i32
      %dma_start3A_661 = tpu.memref_slice %arg2[%dma_start3A_659, %dma_start3A_660] : memref<100000x32xi32, #tpu.memory_space<hbm>> -> memref<100000x32xi32, #tpu.memory_space<hbm>>
      tpu.enqueue_indirect_dma source(%dma_start3A_661 : memref<100000x32xi32, #tpu.memory_space<hbm>>) target(%dma_start3A_655 : memref<56x32xi32, #tpu.memory_space<vmem>>) offsets(%dma_start3A_658 : memref<56xi32, #tpu.memory_space<vmem>>) semaphore(%arg20 : memref<!tpu.dma_semaphore, #tpu.memory_space<semaphore_mem>>)
      %mul3A_662 = arith.constant 8 : i32
      %mul3A_663 = arith.muli %scan3A_242, %mul3A_662 : i32
      %add3A_664 = arith.constant 7 : i32
      %add3A_665 = arith.addi %mul3A_663, %add3A_664 : i32
      %min3A_666 = arith.constant 127 : i32
      %min3A_667 = arith.minsi %add3A_665, %min3A_666 : i32
      %dma_wait3A_668 = arith.constant 7 : i32
      %dma_wait3A_669 = arith.constant 0 : i32
      %dma_wait3A_670 = arith.constant 0 : i32
      %dma_wait3A_671 = tpu.memref_slice %arg13[%dma_wait3A_668, %dma_wait3A_669, %dma_wait3A_670] : memref<8x56x32xi32, #tpu.memory_space<vmem>> -> memref<1x56x32xi32, #tpu.memory_space<vmem>>
      %dma_wait3A_672 = tpu.memref_squeeze %dma_wait3A_671 : memref<1x56x32xi32, #tpu.memory_space<vmem>> -> memref<56x32xi32, #tpu.memory_space<vmem>>
      %dma_wait3A_673 = arith.constant 0 : i32
      %dma_wait3A_674 = tpu.memref_slice %arg10[%min3A_667, %dma_wait3A_673] : memref<128x64xi32, #tpu.memory_space<vmem>> -> memref<1x56xi32, #tpu.memory_space<vmem>>
      %dma_wait3A_675 = tpu.memref_squeeze %dma_wait3A_674 : memref<1x56xi32, #tpu.memory_space<vmem>> -> memref<56xi32, #tpu.memory_space<vmem>>
      %dma_wait3A_676 = arith.constant 0 : i32
      %dma_wait3A_677 = arith.constant 0 : i32
      %dma_wait3A_678 = tpu.memref_slice %arg2[%dma_wait3A_676, %dma_wait3A_677] : memref<100000x32xi32, #tpu.memory_space<hbm>> -> memref<100000x32xi32, #tpu.memory_space<hbm>>
      tpu.wait_indirect_dma semaphore(%arg21 : memref<!tpu.dma_semaphore, #tpu.memory_space<semaphore_mem>>) src(%dma_wait3A_678 : memref<100000x32xi32, #tpu.memory_space<hbm>>) dst(%dma_wait3A_672 : memref<56x32xi32, #tpu.memory_space<vmem>>)
      %broadcast_in_dim3A_679 = arith.constant 0.000000e+00 : f32
      %broadcast_in_dim3A_680 = vector.broadcast %broadcast_in_dim3A_679 : f32 to vector<16xf32>
      %scan3A_681 = arith.constant 0 : i32
      %scan3A_682 = arith.constant 50 : i32
      %scan3A_683 = arith.addi %scan3A_681, %scan3A_682 : i32
      %scan3A_684 = arith.constant 1 : i32
      %scan3A_685:4 = scf.for %scan3A_722 = %scan3A_681 to %scan3A_683 step %scan3A_684 iter_args(%scan3A_723 = %broadcast_in_dim3A_680, %scan3A_724 = %broadcast_in_dim3A_680, %scan3A_725 = %broadcast_in_dim3A_680, %scan3A_726 = %broadcast_in_dim3A_680) -> (vector<16xf32>, vector<16xf32>, vector<16xf32>, vector<16xf32>)  : i32 {
        %get3A = arith.constant 7 : i32
        %get3A_727 = arith.index_cast %get3A : i32 to index
        %get3A_728 = arith.index_cast %scan3A_722 : i32 to index
        %get3A_729 = arith.constant 0 : index
        %get3A_730 = tpu.vector_load %arg13[%get3A_727, %get3A_728, %get3A_729] {strides = array<i32>} : memref<8x56x32xi32, #tpu.memory_space<vmem>>, vector<1x1x16xi32>,
        %get3A_731 = vector.shape_cast %get3A_730 : vector<1x1x16xi32> to vector<16xi32>
        %get3A_732 = arith.constant 7 : i32
        %get3A_733 = arith.index_cast %get3A_732 : i32 to index
        %get3A_734 = arith.index_cast %scan3A_722 : i32 to index
        %get3A_735 = arith.constant 16 : index
        %get3A_736 = tpu.vector_load %arg13[%get3A_733, %get3A_734, %get3A_735] {strides = array<i32>} : memref<8x56x32xi32, #tpu.memory_space<vmem>>, vector<1x1x16xi32>,
        %get3A_737 = vector.shape_cast %get3A_736 : vector<1x1x16xi32> to vector<16xi32>
        %shift_left3A = arith.constant 16 : i32
        %shift_left3A_738 = vector.broadcast %shift_left3A : i32 to vector<16xi32>
        %shift_left3A_739 = arith.shli %get3A_731, %shift_left3A_738 : vector<16xi32>
        %bitcast_convert_type3A = tpu.bitcast %shift_left3A_739 : vector<16xi32> -> vector<16xf32>
        %add3A_740 = arith.addf %scan3A_723, %bitcast_convert_type3A : vector<16xf32>
        %and3A = arith.andi %get3A_731, %broadcast_in_dim3A_121 : vector<16xi32>
        %bitcast_convert_type3A_741 = tpu.bitcast %and3A : vector<16xi32> -> vector<16xf32>
        %add3A_742 = arith.addf %scan3A_724, %bitcast_convert_type3A_741 : vector<16xf32>
        %shift_left3A_743 = arith.constant 16 : i32
        %shift_left3A_744 = vector.broadcast %shift_left3A_743 : i32 to vector<16xi32>
        %shift_left3A_745 = arith.shli %get3A_737, %shift_left3A_744 : vector<16xi32>
        %bitcast_convert_type3A_746 = tpu.bitcast %shift_left3A_745 : vector<16xi32> -> vector<16xf32>
        %add3A_747 = arith.addf %scan3A_725, %bitcast_convert_type3A_746 : vector<16xf32>
        %and3A_748 = arith.andi %get3A_737, %broadcast_in_dim3A_121 : vector<16xi32>
        %bitcast_convert_type3A_749 = tpu.bitcast %and3A_748 : vector<16xi32> -> vector<16xf32>
        %add3A_750 = arith.addf %scan3A_726, %bitcast_convert_type3A_749 : vector<16xf32>
        scf.yield %add3A_740, %add3A_742, %add3A_747, %add3A_750 : vector<16xf32>, vector<16xf32>, vector<16xf32>, vector<16xf32>
      }
      %scan3A_686 = arith.constant 50 : i32
      %swap3A_687 = arith.index_cast %add3A_665 : i32 to index
      %swap3A_688 = arith.constant 0 : index
      %swap3A_689 = tpu.vector_load %arg12[%swap3A_687, %swap3A_688] {strides = array<i32>} : memref<128x64xf32, #tpu.memory_space<vmem>>, vector<1x16xf32>,
      %swap3A_690 = vector.shape_cast %swap3A_689 : vector<1x16xf32> to vector<16xf32>
      %swap3A_691 = vector.shape_cast %scan3A_685#0 : vector<16xf32> to vector<1x16xf32>
      tpu.vector_store %arg12[%swap3A_687, %swap3A_688], %swap3A_691 {strides = array<i32>} : memref<128x64xf32, #tpu.memory_space<vmem>>, vector<1x16xf32>,
      %swap3A_692 = arith.index_cast %add3A_665 : i32 to index
      %swap3A_693 = arith.constant 16 : index
      %swap3A_694 = tpu.vector_load %arg12[%swap3A_692, %swap3A_693] {strides = array<i32>} : memref<128x64xf32, #tpu.memory_space<vmem>>, vector<1x16xf32>,
      %swap3A_695 = vector.shape_cast %swap3A_694 : vector<1x16xf32> to vector<16xf32>
      %swap3A_696 = vector.shape_cast %scan3A_685#1 : vector<16xf32> to vector<1x16xf32>
      tpu.vector_store %arg12[%swap3A_692, %swap3A_693], %swap3A_696 {strides = array<i32>} : memref<128x64xf32, #tpu.memory_space<vmem>>, vector<1x16xf32>,
      %swap3A_697 = arith.index_cast %add3A_665 : i32 to index
      %swap3A_698 = arith.constant 32 : index
      %swap3A_699 = tpu.vector_load %arg12[%swap3A_697, %swap3A_698] {strides = array<i32>} : memref<128x64xf32, #tpu.memory_space<vmem>>, vector<1x16xf32>,
      %swap3A_700 = vector.shape_cast %swap3A_699 : vector<1x16xf32> to vector<16xf32>
      %swap3A_701 = vector.shape_cast %scan3A_685#2 : vector<16xf32> to vector<1x16xf32>
      tpu.vector_store %arg12[%swap3A_697, %swap3A_698], %swap3A_701 {strides = array<i32>} : memref<128x64xf32, #tpu.memory_space<vmem>>, vector<1x16xf32>,
      %swap3A_702 = arith.index_cast %add3A_665 : i32 to index
      %swap3A_703 = arith.constant 48 : index
      %swap3A_704 = tpu.vector_load %arg12[%swap3A_702, %swap3A_703] {strides = array<i32>} : memref<128x64xf32, #tpu.memory_space<vmem>>, vector<1x16xf32>,
      %swap3A_705 = vector.shape_cast %swap3A_704 : vector<1x16xf32> to vector<16xf32>
      %swap3A_706 = vector.shape_cast %scan3A_685#3 : vector<16xf32> to vector<1x16xf32>
      tpu.vector_store %arg12[%swap3A_702, %swap3A_703], %swap3A_706 {strides = array<i32>} : memref<128x64xf32, #tpu.memory_space<vmem>>, vector<1x16xf32>,
      %add3A_707 = arith.constant 8 : i32
      %add3A_708 = arith.addi %add3A_665, %add3A_707 : i32
      %min3A_709 = arith.constant 127 : i32
      %min3A_710 = arith.minsi %add3A_708, %min3A_709 : i32
      %dma_start3A_711 = arith.constant 7 : i32
      %dma_start3A_712 = arith.constant 0 : i32
      %dma_start3A_713 = arith.constant 0 : i32
      %dma_start3A_714 = tpu.memref_slice %arg13[%dma_start3A_711, %dma_start3A_712, %dma_start3A_713] : memref<8x56x32xi32, #tpu.memory_space<vmem>> -> memref<1x56x32xi32, #tpu.memory_space<vmem>>
      %dma_start3A_715 = tpu.memref_squeeze %dma_start3A_714 : memref<1x56x32xi32, #tpu.memory_space<vmem>> -> memref<56x32xi32, #tpu.memory_space<vmem>>
      %dma_start3A_716 = arith.constant 0 : i32
      %dma_start3A_717 = tpu.memref_slice %arg10[%min3A_710, %dma_start3A_716] : memref<128x64xi32, #tpu.memory_space<vmem>> -> memref<1x56xi32, #tpu.memory_space<vmem>>
      %dma_start3A_718 = tpu.memref_squeeze %dma_start3A_717 : memref<1x56xi32, #tpu.memory_space<vmem>> -> memref<56xi32, #tpu.memory_space<vmem>>
      %dma_start3A_719 = arith.constant 0 : i32
      %dma_start3A_720 = arith.constant 0 : i32
      %dma_start3A_721 = tpu.memref_slice %arg2[%dma_start3A_719, %dma_start3A_720] : memref<100000x32xi32, #tpu.memory_space<hbm>> -> memref<100000x32xi32, #tpu.memory_space<hbm>>
      tpu.enqueue_indirect_dma source(%dma_start3A_721 : memref<100000x32xi32, #tpu.memory_space<hbm>>) target(%dma_start3A_715 : memref<56x32xi32, #tpu.memory_space<vmem>>) offsets(%dma_start3A_718 : memref<56xi32, #tpu.memory_space<vmem>>) semaphore(%arg21 : memref<!tpu.dma_semaphore, #tpu.memory_space<semaphore_mem>>)
    }
    %scan3A_126 = arith.constant 16 : i32
    %min3A_127 = arith.constant 0 : i32
    %min3A_128 = arith.constant 127 : i32
    %min3A_129 = arith.minsi %min3A_127, %min3A_128 : i32
    %dma_wait3A_130 = arith.constant 0 : i32
    %dma_wait3A_131 = arith.constant 0 : i32
    %dma_wait3A_132 = arith.constant 0 : i32
    %dma_wait3A_133 = tpu.memref_slice %arg13[%dma_wait3A_130, %dma_wait3A_131, %dma_wait3A_132] : memref<8x56x32xi32, #tpu.memory_space<vmem>> -> memref<1x56x32xi32, #tpu.memory_space<vmem>>
    %dma_wait3A_134 = tpu.memref_squeeze %dma_wait3A_133 : memref<1x56x32xi32, #tpu.memory_space<vmem>> -> memref<56x32xi32, #tpu.memory_space<vmem>>
    %dma_wait3A_135 = arith.constant 0 : i32
    %dma_wait3A_136 = tpu.memref_slice %arg10[%min3A_129, %dma_wait3A_135] : memref<128x64xi32, #tpu.memory_space<vmem>> -> memref<1x56xi32, #tpu.memory_space<vmem>>
    %dma_wait3A_137 = tpu.memref_squeeze %dma_wait3A_136 : memref<1x56xi32, #tpu.memory_space<vmem>> -> memref<56xi32, #tpu.memory_space<vmem>>
    %dma_wait3A_138 = arith.constant 0 : i32
    %dma_wait3A_139 = arith.constant 0 : i32
    %dma_wait3A_140 = tpu.memref_slice %arg2[%dma_wait3A_138, %dma_wait3A_139] : memref<100000x32xi32, #tpu.memory_space<hbm>> -> memref<100000x32xi32, #tpu.memory_space<hbm>>
    tpu.wait_indirect_dma semaphore(%arg14 : memref<!tpu.dma_semaphore, #tpu.memory_space<semaphore_mem>>) src(%dma_wait3A_140 : memref<100000x32xi32, #tpu.memory_space<hbm>>) dst(%dma_wait3A_134 : memref<56x32xi32, #tpu.memory_space<vmem>>)
    %min3A_141 = arith.constant 0 : i32
    %min3A_142 = arith.constant 127 : i32
    %min3A_143 = arith.minsi %min3A_141, %min3A_142 : i32
    %dma_wait3A_144 = arith.constant 1 : i32
    %dma_wait3A_145 = arith.constant 0 : i32
    %dma_wait3A_146 = arith.constant 0 : i32
    %dma_wait3A_147 = tpu.memref_slice %arg13[%dma_wait3A_144, %dma_wait3A_145, %dma_wait3A_146] : memref<8x56x32xi32, #tpu.memory_space<vmem>> -> memref<1x56x32xi32, #tpu.memory_space<vmem>>
    %dma_wait3A_148 = tpu.memref_squeeze %dma_wait3A_147 : memref<1x56x32xi32, #tpu.memory_space<vmem>> -> memref<56x32xi32, #tpu.memory_space<vmem>>
    %dma_wait3A_149 = arith.constant 0 : i32
    %dma_wait3A_150 = tpu.memref_slice %arg10[%min3A_143, %dma_wait3A_149] : memref<128x64xi32, #tpu.memory_space<vmem>> -> memref<1x56xi32, #tpu.memory_space<vmem>>
    %dma_wait3A_151 = tpu.memref_squeeze %dma_wait3A_150 : memref<1x56xi32, #tpu.memory_space<vmem>> -> memref<56xi32, #tpu.memory_space<vmem>>
    %dma_wait3A_152 = arith.constant 0 : i32
    %dma_wait3A_153 = arith.constant 0 : i32
    %dma_wait3A_154 = tpu.memref_slice %arg2[%dma_wait3A_152, %dma_wait3A_153] : memref<100000x32xi32, #tpu.memory_space<hbm>> -> memref<100000x32xi32, #tpu.memory_space<hbm>>
    tpu.wait_indirect_dma semaphore(%arg15 : memref<!tpu.dma_semaphore, #tpu.memory_space<semaphore_mem>>) src(%dma_wait3A_154 : memref<100000x32xi32, #tpu.memory_space<hbm>>) dst(%dma_wait3A_148 : memref<56x32xi32, #tpu.memory_space<vmem>>)
    %min3A_155 = arith.constant 0 : i32
    %min3A_156 = arith.constant 127 : i32
    %min3A_157 = arith.minsi %min3A_155, %min3A_156 : i32
    %dma_wait3A_158 = arith.constant 2 : i32
    %dma_wait3A_159 = arith.constant 0 : i32
    %dma_wait3A_160 = arith.constant 0 : i32
    %dma_wait3A_161 = tpu.memref_slice %arg13[%dma_wait3A_158, %dma_wait3A_159, %dma_wait3A_160] : memref<8x56x32xi32, #tpu.memory_space<vmem>> -> memref<1x56x32xi32, #tpu.memory_space<vmem>>
    %dma_wait3A_162 = tpu.memref_squeeze %dma_wait3A_161 : memref<1x56x32xi32, #tpu.memory_space<vmem>> -> memref<56x32xi32, #tpu.memory_space<vmem>>
    %dma_wait3A_163 = arith.constant 0 : i32
    %dma_wait3A_164 = tpu.memref_slice %arg10[%min3A_157, %dma_wait3A_163] : memref<128x64xi32, #tpu.memory_space<vmem>> -> memref<1x56xi32, #tpu.memory_space<vmem>>
    %dma_wait3A_165 = tpu.memref_squeeze %dma_wait3A_164 : memref<1x56xi32, #tpu.memory_space<vmem>> -> memref<56xi32, #tpu.memory_space<vmem>>
    %dma_wait3A_166 = arith.constant 0 : i32
    %dma_wait3A_167 = arith.constant 0 : i32
    %dma_wait3A_168 = tpu.memref_slice %arg2[%dma_wait3A_166, %dma_wait3A_167] : memref<100000x32xi32, #tpu.memory_space<hbm>> -> memref<100000x32xi32, #tpu.memory_space<hbm>>
    tpu.wait_indirect_dma semaphore(%arg16 : memref<!tpu.dma_semaphore, #tpu.memory_space<semaphore_mem>>) src(%dma_wait3A_168 : memref<100000x32xi32, #tpu.memory_space<hbm>>) dst(%dma_wait3A_162 : memref<56x32xi32, #tpu.memory_space<vmem>>)
    %min3A_169 = arith.constant 0 : i32
    %min3A_170 = arith.constant 127 : i32
    %min3A_171 = arith.minsi %min3A_169, %min3A_170 : i32
    %dma_wait3A_172 = arith.constant 3 : i32
    %dma_wait3A_173 = arith.constant 0 : i32
    %dma_wait3A_174 = arith.constant 0 : i32
    %dma_wait3A_175 = tpu.memref_slice %arg13[%dma_wait3A_172, %dma_wait3A_173, %dma_wait3A_174] : memref<8x56x32xi32, #tpu.memory_space<vmem>> -> memref<1x56x32xi32, #tpu.memory_space<vmem>>
    %dma_wait3A_176 = tpu.memref_squeeze %dma_wait3A_175 : memref<1x56x32xi32, #tpu.memory_space<vmem>> -> memref<56x32xi32, #tpu.memory_space<vmem>>
    %dma_wait3A_177 = arith.constant 0 : i32
    %dma_wait3A_178 = tpu.memref_slice %arg10[%min3A_171, %dma_wait3A_177] : memref<128x64xi32, #tpu.memory_space<vmem>> -> memref<1x56xi32, #tpu.memory_space<vmem>>
    %dma_wait3A_179 = tpu.memref_squeeze %dma_wait3A_178 : memref<1x56xi32, #tpu.memory_space<vmem>> -> memref<56xi32, #tpu.memory_space<vmem>>
    %dma_wait3A_180 = arith.constant 0 : i32
    %dma_wait3A_181 = arith.constant 0 : i32
    %dma_wait3A_182 = tpu.memref_slice %arg2[%dma_wait3A_180, %dma_wait3A_181] : memref<100000x32xi32, #tpu.memory_space<hbm>> -> memref<100000x32xi32, #tpu.memory_space<hbm>>
    tpu.wait_indirect_dma semaphore(%arg17 : memref<!tpu.dma_semaphore, #tpu.memory_space<semaphore_mem>>) src(%dma_wait3A_182 : memref<100000x32xi32, #tpu.memory_space<hbm>>) dst(%dma_wait3A_176 : memref<56x32xi32, #tpu.memory_space<vmem>>)
    %min3A_183 = arith.constant 0 : i32
    %min3A_184 = arith.constant 127 : i32
    %min3A_185 = arith.minsi %min3A_183, %min3A_184 : i32
    %dma_wait3A_186 = arith.constant 4 : i32
    %dma_wait3A_187 = arith.constant 0 : i32
    %dma_wait3A_188 = arith.constant 0 : i32
    %dma_wait3A_189 = tpu.memref_slice %arg13[%dma_wait3A_186, %dma_wait3A_187, %dma_wait3A_188] : memref<8x56x32xi32, #tpu.memory_space<vmem>> -> memref<1x56x32xi32, #tpu.memory_space<vmem>>
    %dma_wait3A_190 = tpu.memref_squeeze %dma_wait3A_189 : memref<1x56x32xi32, #tpu.memory_space<vmem>> -> memref<56x32xi32, #tpu.memory_space<vmem>>
    %dma_wait3A_191 = arith.constant 0 : i32
    %dma_wait3A_192 = tpu.memref_slice %arg10[%min3A_185, %dma_wait3A_191] : memref<128x64xi32, #tpu.memory_space<vmem>> -> memref<1x56xi32, #tpu.memory_space<vmem>>
    %dma_wait3A_193 = tpu.memref_squeeze %dma_wait3A_192 : memref<1x56xi32, #tpu.memory_space<vmem>> -> memref<56xi32, #tpu.memory_space<vmem>>
    %dma_wait3A_194 = arith.constant 0 : i32
    %dma_wait3A_195 = arith.constant 0 : i32
    %dma_wait3A_196 = tpu.memref_slice %arg2[%dma_wait3A_194, %dma_wait3A_195] : memref<100000x32xi32, #tpu.memory_space<hbm>> -> memref<100000x32xi32, #tpu.memory_space<hbm>>
    tpu.wait_indirect_dma semaphore(%arg18 : memref<!tpu.dma_semaphore, #tpu.memory_space<semaphore_mem>>) src(%dma_wait3A_196 : memref<100000x32xi32, #tpu.memory_space<hbm>>) dst(%dma_wait3A_190 : memref<56x32xi32, #tpu.memory_space<vmem>>)
    %min3A_197 = arith.constant 0 : i32
    %min3A_198 = arith.constant 127 : i32
    %min3A_199 = arith.minsi %min3A_197, %min3A_198 : i32
    %dma_wait3A_200 = arith.constant 5 : i32
    %dma_wait3A_201 = arith.constant 0 : i32
    %dma_wait3A_202 = arith.constant 0 : i32
    %dma_wait3A_203 = tpu.memref_slice %arg13[%dma_wait3A_200, %dma_wait3A_201, %dma_wait3A_202] : memref<8x56x32xi32, #tpu.memory_space<vmem>> -> memref<1x56x32xi32, #tpu.memory_space<vmem>>
    %dma_wait3A_204 = tpu.memref_squeeze %dma_wait3A_203 : memref<1x56x32xi32, #tpu.memory_space<vmem>> -> memref<56x32xi32, #tpu.memory_space<vmem>>
    %dma_wait3A_205 = arith.constant 0 : i32
    %dma_wait3A_206 = tpu.memref_slice %arg10[%min3A_199, %dma_wait3A_205] : memref<128x64xi32, #tpu.memory_space<vmem>> -> memref<1x56xi32, #tpu.memory_space<vmem>>
    %dma_wait3A_207 = tpu.memref_squeeze %dma_wait3A_206 : memref<1x56xi32, #tpu.memory_space<vmem>> -> memref<56xi32, #tpu.memory_space<vmem>>
    %dma_wait3A_208 = arith.constant 0 : i32
    %dma_wait3A_209 = arith.constant 0 : i32
    %dma_wait3A_210 = tpu.memref_slice %arg2[%dma_wait3A_208, %dma_wait3A_209] : memref<100000x32xi32, #tpu.memory_space<hbm>> -> memref<100000x32xi32, #tpu.memory_space<hbm>>
    tpu.wait_indirect_dma semaphore(%arg19 : memref<!tpu.dma_semaphore, #tpu.memory_space<semaphore_mem>>) src(%dma_wait3A_210 : memref<100000x32xi32, #tpu.memory_space<hbm>>) dst(%dma_wait3A_204 : memref<56x32xi32, #tpu.memory_space<vmem>>)
    %min3A_211 = arith.constant 0 : i32
    %min3A_212 = arith.constant 127 : i32
    %min3A_213 = arith.minsi %min3A_211, %min3A_212 : i32
    %dma_wait3A_214 = arith.constant 6 : i32
    %dma_wait3A_215 = arith.constant 0 : i32
    %dma_wait3A_216 = arith.constant 0 : i32
    %dma_wait3A_217 = tpu.memref_slice %arg13[%dma_wait3A_214, %dma_wait3A_215, %dma_wait3A_216] : memref<8x56x32xi32, #tpu.memory_space<vmem>> -> memref<1x56x32xi32, #tpu.memory_space<vmem>>
    %dma_wait3A_218 = tpu.memref_squeeze %dma_wait3A_217 : memref<1x56x32xi32, #tpu.memory_space<vmem>> -> memref<56x32xi32, #tpu.memory_space<vmem>>
    %dma_wait3A_219 = arith.constant 0 : i32
    %dma_wait3A_220 = tpu.memref_slice %arg10[%min3A_213, %dma_wait3A_219] : memref<128x64xi32, #tpu.memory_space<vmem>> -> memref<1x56xi32, #tpu.memory_space<vmem>>
    %dma_wait3A_221 = tpu.memref_squeeze %dma_wait3A_220 : memref<1x56xi32, #tpu.memory_space<vmem>> -> memref<56xi32, #tpu.memory_space<vmem>>
    %dma_wait3A_222 = arith.constant 0 : i32
    %dma_wait3A_223 = arith.constant 0 : i32
    %dma_wait3A_224 = tpu.memref_slice %arg2[%dma_wait3A_222, %dma_wait3A_223] : memref<100000x32xi32, #tpu.memory_space<hbm>> -> memref<100000x32xi32, #tpu.memory_space<hbm>>
    tpu.wait_indirect_dma semaphore(%arg20 : memref<!tpu.dma_semaphore, #tpu.memory_space<semaphore_mem>>) src(%dma_wait3A_224 : memref<100000x32xi32, #tpu.memory_space<hbm>>) dst(%dma_wait3A_218 : memref<56x32xi32, #tpu.memory_space<vmem>>)
    %min3A_225 = arith.constant 0 : i32
    %min3A_226 = arith.constant 127 : i32
    %min3A_227 = arith.minsi %min3A_225, %min3A_226 : i32
    %dma_wait3A_228 = arith.constant 7 : i32
    %dma_wait3A_229 = arith.constant 0 : i32
    %dma_wait3A_230 = arith.constant 0 : i32
    %dma_wait3A_231 = tpu.memref_slice %arg13[%dma_wait3A_228, %dma_wait3A_229, %dma_wait3A_230] : memref<8x56x32xi32, #tpu.memory_space<vmem>> -> memref<1x56x32xi32, #tpu.memory_space<vmem>>
    %dma_wait3A_232 = tpu.memref_squeeze %dma_wait3A_231 : memref<1x56x32xi32, #tpu.memory_space<vmem>> -> memref<56x32xi32, #tpu.memory_space<vmem>>
    %dma_wait3A_233 = arith.constant 0 : i32
    %dma_wait3A_234 = tpu.memref_slice %arg10[%min3A_227, %dma_wait3A_233] : memref<128x64xi32, #tpu.memory_space<vmem>> -> memref<1x56xi32, #tpu.memory_space<vmem>>
    %dma_wait3A_235 = tpu.memref_squeeze %dma_wait3A_234 : memref<1x56xi32, #tpu.memory_space<vmem>> -> memref<56xi32, #tpu.memory_space<vmem>>
    %dma_wait3A_236 = arith.constant 0 : i32
    %dma_wait3A_237 = arith.constant 0 : i32
    %dma_wait3A_238 = tpu.memref_slice %arg2[%dma_wait3A_236, %dma_wait3A_237] : memref<100000x32xi32, #tpu.memory_space<hbm>> -> memref<100000x32xi32, #tpu.memory_space<hbm>>
    tpu.wait_indirect_dma semaphore(%arg21 : memref<!tpu.dma_semaphore, #tpu.memory_space<semaphore_mem>>) src(%dma_wait3A_238 : memref<100000x32xi32, #tpu.memory_space<hbm>>) dst(%dma_wait3A_232 : memref<56x32xi32, #tpu.memory_space<vmem>>)
    %dma_wait3A_239 = arith.constant 0 : i32
    %dma_wait3A_240 = arith.constant 0 : i32
    %dma_wait3A_241 = tpu.memref_slice %arg2[%dma_wait3A_239, %dma_wait3A_240] : memref<100000x32xi32, #tpu.memory_space<hbm>> -> memref<100000x32xi32, #tpu.memory_space<hbm>>
    tpu.wait_indirect_dma semaphore(%arg22 : memref<!tpu.dma_semaphore, #tpu.memory_space<semaphore_mem>>) src(%dma_wait3A_241 : memref<100000x32xi32, #tpu.memory_space<hbm>>) dst(%arg11 : memref<128x32xi32, #tpu.memory_space<vmem>>)
    "tpu.region"() ({
      %run_scoped3A = tpu.sem_alloc : memref<!tpu.dma_semaphore, #tpu.memory_space<semaphore_mem>>
      %dma_start3A_242 = arith.constant 0 : i32
      %dma_start3A_243 = tpu.memref_slice %arg6[%mul3A_2, %dma_start3A_242] : memref<4096x32xi32, #tpu.memory_space<hbm>> -> memref<128x32xi32, #tpu.memory_space<hbm>>
      %dma_start3A_244 = arith.constant 0 : i32
      %dma_start3A_245 = tpu.memref_slice %arg6[%mul3A_2, %dma_start3A_244] : memref<4096x32xi32, #tpu.memory_space<hbm>> -> memref<128x32xi32, #tpu.memory_space<hbm>>
      tpu.enqueue_dma source(%arg11 : memref<128x32xi32, #tpu.memory_space<vmem>>) target(%dma_start3A_245 : memref<128x32xi32, #tpu.memory_space<hbm>>) target_semaphore(%run_scoped3A : memref<!tpu.dma_semaphore, #tpu.memory_space<semaphore_mem>>)
      %dma_wait3A_246 = arith.constant 0 : i32
      %dma_wait3A_247 = tpu.memref_slice %arg6[%mul3A_2, %dma_wait3A_246] : memref<4096x32xi32, #tpu.memory_space<hbm>> -> memref<128x32xi32, #tpu.memory_space<hbm>>
      %dma_wait3A_248 = arith.constant 0 : i32
      %dma_wait3A_249 = tpu.memref_slice %arg6[%mul3A_2, %dma_wait3A_248] : memref<4096x32xi32, #tpu.memory_space<hbm>> -> memref<128x32xi32, #tpu.memory_space<hbm>>
      tpu.wait_dma2 semaphore(%run_scoped3A : memref<!tpu.dma_semaphore, #tpu.memory_space<semaphore_mem>>) src(%arg11 : memref<128x32xi32, #tpu.memory_space<vmem>>) dst(%dma_wait3A_249 : memref<128x32xi32, #tpu.memory_space<hbm>>)
      tpu.yield
    }) : () -> ()
    "tpu.region"() ({
      %run_scoped3A = tpu.sem_alloc : memref<!tpu.dma_semaphore, #tpu.memory_space<semaphore_mem>>
      %dma_start3A_242 = arith.constant 0 : i32
      %dma_start3A_243 = tpu.memref_slice %arg7[%mul3A_2, %dma_start3A_242] : memref<4096x64xf32, #tpu.memory_space<hbm>> -> memref<128x64xf32, #tpu.memory_space<hbm>>
      %dma_start3A_244 = arith.constant 0 : i32
      %dma_start3A_245 = tpu.memref_slice %arg7[%mul3A_2, %dma_start3A_244] : memref<4096x64xf32, #tpu.memory_space<hbm>> -> memref<128x64xf32, #tpu.memory_space<hbm>>
      tpu.enqueue_dma source(%arg12 : memref<128x64xf32, #tpu.memory_space<vmem>>) target(%dma_start3A_245 : memref<128x64xf32, #tpu.memory_space<hbm>>) target_semaphore(%run_scoped3A : memref<!tpu.dma_semaphore, #tpu.memory_space<semaphore_mem>>)
      %dma_wait3A_246 = arith.constant 0 : i32
      %dma_wait3A_247 = tpu.memref_slice %arg7[%mul3A_2, %dma_wait3A_246] : memref<4096x64xf32, #tpu.memory_space<hbm>> -> memref<128x64xf32, #tpu.memory_space<hbm>>
      %dma_wait3A_248 = arith.constant 0 : i32
      %dma_wait3A_249 = tpu.memref_slice %arg7[%mul3A_2, %dma_wait3A_248] : memref<4096x64xf32, #tpu.memory_space<hbm>> -> memref<128x64xf32, #tpu.memory_space<hbm>>
      tpu.wait_dma2 semaphore(%run_scoped3A : memref<!tpu.dma_semaphore, #tpu.memory_space<semaphore_mem>>) src(%arg12 : memref<128x64xf32, #tpu.memory_space<vmem>>) dst(%dma_wait3A_249 : memref<128x64xf32, #tpu.memory_space<hbm>>)
      tpu.yield
    }) : () -> ()
    return
  }
}

</mosaic_0001>

<sc_bundles>
// kernel: _sc_gather.3.cloned.1.call-start
scs
__scs_entry_jumppad:
0x0: {  	(pc) =	sbr.rel $0x88, $3  }
0x1: {  	(tag) =	ssettag $0x0;
	lr =	simm.s32 $0x1  }
0x2: {  	[smem:$0x3F9D] =	sst lr;
	_ =	strace $0xD0000000  }
0x3: {  	_ = 	snop  }
0x4: {  	_ = 	snop  }
0x5: {  	_ = 	snop  }
0x6: {  	_ = 	snop  }
0x7: {  	_ = 	snop  }
__scs_overlays_trampoline_lowered:
0x8: {  	[smem:$0x3FAC] =	sst s0  }
0x9: {  	[smem:$0x3FAD] =	sst s1  }
0xa: {  	[smem:$0x3FAE] =	sst s2  }
0xb: {  	[smem:$0x3FAF] =	sst s3  }
0xc: {  	[smem:$0x3FB0] =	sst s4  }
0xd: {  	[smem:$0x3FB1] =	sst s5  }
0xe: {  	[smem:$0x3FB2] =	sst s6  }
0xf: {  	[smem:$0x3FB3] =	sst s7  }
0x10: {  	[smem:$0x3FB4] =	sst s8  }
0x11: {  	[smem:$0x3FB5] =	sst s9;
	s0 =	simm.s32 @!p0 $0x0  }
0x12: {  	s1 =	sld [smem:$0x3F9B];
	s0 =	simm.s32 @p0 $0x1  }
0x13: {  	[smem:$0x3FB6] =	sst s0;
	s0 =	simm.s32 @!p1 $0x0  }
0x14: {  	s2 =	sld [smem:$0x3F9A];
	s0 =	simm.s32 @p1 $0x1  }
0x15: {  	[smem:$0x3FB7] =	sst s0;
	s0 =	simm.s32 @!p2 $0x0  }
0x16: {  	s3 =	sld [smem:$0x3FDB];
	s0 =	simm.s32 @p2 $0x1  }
0x17: {  	s4 =	simm.s32 $0x1BF5;
	[smem:$0x3FB9] =	sst s0  }
0x18: {  	s0 =	sld [smem:$0x3F9C];
	_ =	swait.ge [sflag:s4], $0x0  }
0x19: {  	s7 =	sld [smem:$0x3F9D]  }
0x1a: {  	s8 =	sadd.s32 $0xFFFFE003, lr  }
0x1b: {  	s9 =	sadd.s32 $0xFFFFFEF7, lr;
	s5 =	simm.s32 $0xFFFFFFFF;
	p2 =	slt.u32 s8, $0xFFFFF086  }
0x1c: {  	p1 =	slt.u32 s9, $0xF7A;
	s5 =	simm.s32 @!p2 $0x0  }
0x1d: {  	s5 =	simm.s32 @p1 $0x1;
	p0 =	seq.s32 s7, s2  }
0x1e: {  	s7 =	smul.u32 @!p0 $0xF7A, s2;
	p2 =	seq.s32 @!p0 s5, $0x0  }
0x1f: {  	s9 =	smul.u32 $0xF7A, s1;
	s8 =	simm.s32 @!p0 $0x1BF5;
	p2 =	por !p2, p0  }
0x20: {  	[sflag:s8] =	ssyncset.s32 @!p0 $0xFFFFF086;
	s6 =	sadd.s32 @!p0 s3, s7;
	s7 =	simm.s32 @!p0 $0x108  }
0x21: {  	s3 =	sadd.s32 s3, s9;
	s6 =	sadd.s32 @!p0 $0x88, s6;
	s7 =	simm.s32 @p2 $0x1082  }
0x22: {  	[simem:s7], [sflag:s8] =	dma.local @!p0 [hbm:s6], $0xF7A  }
0x23: {  	s9 =	sor.u32 $0xD0000000, s2;
	s6 =	simm.s32 $0x108;
	_ =	swait.ge @!p0 [sflag:s8], $0x0  }
0x24: {  	s3 =	sadd.s32 $0x88, s3;
	s6 =	simm.s32 @!p1 $0x1082;
	[sflag:s4] =	ssyncset.s32 $0xFFFFF086  }
0x25: {  	[simem:s6], [sflag:s4] =	dma.local [hbm:s3], $0xF7A  }
0x26: {  	[smem:$0x3F9D] =	sst s1;
	(tag) =	ssettag s2;
	_ =	strace s9  }
0x27: {  	s1 =	sld [smem:$0x3FAD]  }
0x28: {  	s2 =	sld [smem:$0x3FAE]  }
0x29: {  	s4 =	sld [smem:$0x3FB0]  }
0x2a: {  	p0 =	seq.s32 s5, $0x0;
	s5 =	sld [smem:$0x3FB1]  }
0x2b: {  	s6 =	sld [smem:$0x3FB2]  }
0x2c: {  	s7 =	sld [smem:$0x3FB3]  }
0x2d: {  	s3 =	simm.s32 $0x108;
	s8 =	sld [smem:$0x3FB4]  }
0x2e: {  	s3 =	simm.s32 @!p0 $0x1082;
	s9 =	sld [smem:$0x3FB5]  }
0x2f: {  	lr =	sadd.s32 s0, s3;
	s0 =	sld [smem:$0x3FAC]  }
0x30: {  	s3 =	sld [smem:$0x3FAF]  }
0x31: {  	[smem:$0x3FB8] =	sst s10  }
0x32: {  	s10 =	sld [smem:$0x3FB6];
	_ =	sdelay $0x3  }
0x33: {  	p0 =	seq.s32 s10, $0x1;
	s10 =	sld [smem:$0x3FB8];
	_ =	sdelay $0x3  }
0x34: {  	[smem:$0x3FB8] =	sst s10  }
0x35: {  	s10 =	sld [smem:$0x3FB7];
	_ =	sdelay $0x3  }
0x36: {  	p1 =	seq.s32 s10, $0x1;
	s10 =	sld [smem:$0x3FB8];
	_ =	sdelay $0x3  }
0x37: {  	[smem:$0x3FB8] =	sst s10  }
0x38: {  	s10 =	sld [smem:$0x3FB9]  }
0x39: {  	_ = 	snop;
	(pc) =	sbr.ind lr, $3  }
0x3a: {  	_ = 	snop  }
0x3b: {  	_ = 	snop  }
0x3c: {  	p2 =	seq.s32 s10, $0x1;
	s10 =	sld [smem:$0x3FB8]  }
0x3d: {  	_ =	shalt  }
0x3e: {  	_ =	shalt  }
0x3f: {  	_ =	shalt  }
0x40: {  	_ =	shalt  }
0x41: {  	_ =	shalt  }
0x42: {  	_ =	shalt  }
0x43: {  	_ =	shalt  }
0x44: {  	_ =	shalt  }
0x45: {  	_ =	shalt  }
0x46: {  	_ =	shalt  }
0x47: {  	_ =	shalt  }
0x48: {  	_ =	shalt  }
0x49: {  	_ =	shalt  }
0x4a: {  	_ =	shalt  }
0x4b: {  	_ =	shalt  }
0x4c: {  	_ =	shalt  }
0x4d: {  	_ =	shalt  }
0x4e: {  	_ =	shalt  }
0x4f: {  	_ =	shalt  }
0x50: {  	_ =	shalt  }
0x51: {  	_ =	shalt  }
0x52: {  	_ =	shalt  }
0x53: {  	_ =	shalt  }
0x54: {  	_ =	shalt  }
0x55: {  	_ =	shalt  }
0x56: {  	_ =	shalt  }
0x57: {  	_ =	shalt  }
0x58: {  	_ =	shalt  }
0x59: {  	_ =	shalt  }
0x5a: {  	_ =	shalt  }
0x5b: {  	_ =	shalt  }
0x5c: {  	_ =	shalt  }
0x5d: {  	_ =	shalt  }
0x5e: {  	_ =	shalt  }
0x5f: {  	_ =	shalt  }
0x60: {  	_ =	shalt  }
0x61: {  	_ =	shalt  }
0x62: {  	_ =	shalt  }
0x63: {  	_ =	shalt  }
0x64: {  	_ =	shalt  }
0x65: {  	_ =	shalt  }
0x66: {  	_ =	shalt  }
0x67: {  	_ =	shalt  }
0x68: {  	_ =	shalt  }
0x69: {  	_ =	shalt  }
0x6a: {  	_ =	shalt  }
0x6b: {  	_ =	shalt  }
0x6c: {  	_ =	shalt  }
0x6d: {  	_ =	shalt  }
0x6e: {  	_ =	shalt  }
0x6f: {  	_ =	shalt  }
0x70: {  	_ =	shalt  }
0x71: {  	_ =	shalt  }
0x72: {  	_ =	shalt  }
0x73: {  	_ =	shalt  }
0x74: {  	_ =	shalt  }
0x75: {  	_ =	shalt  }
0x76: {  	_ =	shalt  }
0x77: {  	_ =	shalt  }
0x78: {  	_ =	shalt  }
0x79: {  	_ =	shalt  }
0x7a: {  	_ =	shalt  }
0x7b: {  	_ =	shalt  }
0x7c: {  	_ =	shalt  }
0x7d: {  	_ =	shalt  }
0x7e: {  	_ =	shalt  }
0x7f: {  	_ =	shalt  }
0x80: {  	_ =	shalt  }
0x81: {  	_ =	shalt  }
0x82: {  	_ =	shalt  }
0x83: {  	_ =	shalt  }
0x84: {  	_ =	shalt  }
0x85: {  	_ =	shalt  }
0x86: {  	_ =	shalt  }
0x87: {  	_ =	shalt  }
.Lfunc_end0:
.L_simem_size_0:
called_computation_lowered:
.L_overlay_start_0:
0x88: {  	s2 =	sld [smem:$0x3FD9]  }
0x89: {  	s3 =	sld [smem:$0x3FFE];
	_ =	sdelay $0x1  }
0x8a: {  	s1 =	srdreg.scid  }
0x8b: {  	s0 =	sand.u32 $0x1, s1  }
0x8c: {  	s14 =	sshll.u32 s0, $0xA;
	s2 =	sadd.s32 s3, s2  }
0x8d: {  	s2 =	sadd.s32 s2, s14  }
0x8e: {  	[smem:$0x3FC4] =	sst s2  }
0x8f: {  	_ = 	snop  }
0x90: {  	s2 =	sld [smem:$0x3FD0];
	_ =	sdelay $0x1  }
0x91: {  	s15 =	sld [smem:$0x3FC8]  }
0x92: {  	s5 =	simm.s32 $0xA;
	s6 =	simm.s32 $0x10;
	s4 =	sld [smem:$0x3FC7]  }
0x93: {  	[smem:s6], [sflag:s5] =	dma.local [hbm:s2], $0x1  }
0x94: {  	_ =	swait.eq [sflag:s5], $0x1  }
0x95: {  	[sflag:s5] =	ssyncset.done $0x0  }
0x96: {  	s16 =	sld [smem:$0x10];
	[sflag:s5] =	ssyncadd.s32 $0xFFFFFFFF  }
0x97: {  	s17 =	sld [smem:$0x11];
	(tm) =	ssettm $0x1  }
0x98: {  	s18 =	sld [smem:$0x3FFB];
	_ =	sdelay $0x3  }
0x99: {  	_ =	strace s18  }
0x9a: {  	s6 =	sld [smem:$0x3FFC];
	_ =	sdelay $0x3  }
0x9b: {  	_ =	strace s6  }
0x9c: {  	s6 =	sld [smem:$0x3FFD];
	_ =	sdelay $0x3  }
0x9d: {  	_ =	strace s6  }
0x9e: {  	_ =	strace $0x8FFFFFFF  }
0x9f: {  	s19 =	sld [smem:$0x3FDB];
	_ =	sdelay $0x1  }
0xa0: {  	s7 =	simm.s32 $_scs_section_size  }
0xa1: {  	s8 =	simm.s32 $_size__tile_overlayer_lowered;
	s9 =	simm.s32 $_tile_overlayer_lowered  }
0xa2: {  	s22 =	simm.s32 $0x1BFF;
	s21 =	sshll.u32 s9, $0x1;
	s6 =	sadd.s32 s7, s19  }
0xa3: {  	s10 =	simm.s32 $0x0;
	s20 =	sshll.u32 s8, $0x1;
	s8 =	sadd.s32 s21, s6  }
0xa4: {  	[timem:s10], [sflag:s22] =	dma.local [hbm:s8], s20  }
0xa5: {  	_ =	swait.ge [sflag:s22], s20  }
0xa6: {  	s7 =	ssub.s32 $0x0, s20;
	[sflag:s22] =	ssyncset.done $0x0  }
0xa7: {  	[sflag:s22] =	ssyncadd.s32 s7;
	_ =	sdelay $0x1  }
0xa8: {  	s23 =	simm.s32 $0x1B8B  }
0xa9: {  	_ =	swait.ge [sflag:s23], $0x1  }
0xaa: {  	[sflag:s23] =	ssyncset.done $0x0  }
0xab: {  	s25 =	simm.s32 $0x1B8E;
	s24 =	sld [smem:$0x3FFE];
	[sflag:s23] =	ssyncadd.s32 $0xFFFFFFFF  }
0xac: {  	s26 =	simm.s32 $execute0_lowered;
	[smem:$0x3FD2] =	sst s25  }
0xad: {  	s8 =	sshll.u32 s26, $0x1;
	_ =	strace $0x80000046;
	[dreg:$0x1] =	wrdreg $0xFFFFFFFF  }
0xae: {  	s28 =	simm.s32 $_size_execute0_lowered;
	s6 =	sadd.s32 s6, s8;
	[dreg:$0x0] =	wrdreg $0x0  }
0xaf: {  	s8 =	sshll.u32 s28, $0x1;
	[dreg:$0x2] =	wrdreg s6  }
0xb0: {  	[dreg:$0x3] =	wrdreg s8  }
0xb1: {  	[dreg:$0x4] =	wrdreg $0xC0  }
0xb2: {  	_ =	task [dreg:s10], $0x5FFFF  }
0xb3: {  	[dreg:$0x1] =	wrdreg $0xFFFFFFFF  }
0xb4: {  	[dreg:$0x0] =	wrdreg $0x60  }
0xb5: {  	[dreg:$0x2] =	wrdreg s24  }
0xb6: {  	[dreg:$0x3] =	wrdreg s15  }
0xb7: {  	[dreg:$0x4] =	wrdreg s4  }
0xb8: {  	[dreg:$0x5] =	wrdreg s16  }
0xb9: {  	[dreg:$0x6] =	wrdreg s17  }
0xba: {  	[dreg:$0x7] =	wrdreg $0x9  }
0xbb: {  	_ =	task.clear_ibuf [dreg:s10], $0x8FFFF;
	_ =	strace $0x90000046  }
0xbc: {  	s29 =	simm.s32 $0x9;
	_ =	strace $0x80000048  }
0xbd: {  	_ =	swait.ge [sflag:s29], $0x1  }
0xbe: {  	[sflag:s29] =	ssyncadd.s32 $0xFFFFFFFF  }
0xbf: {  	_ =	strace $0x90000048  }
0xc0: {  	_ =	sfence  }
0xc1: {  	s30 =	sld [smem:$0x0];
	_ =	sdelay $0x2  }
0xc2: {  	s31 =	sshll.u32 s1, $0xD;
	s1 =	sshrl.u32 s1, $0x2  }
0xc3: {  	s3 =	sand.u32 $0x4000, s31;
	s1 =	sadd.s32 s1, s30  }
0xc4: {  	s0 =	sor.u32 s3, s0;
	s1 =	sshll.u32 s1, $0x11  }
0xc5: {  	s0 =	sor.u32 s1, s0  }
0xc6: {  	s0 =	sadd.s32 $0x8F2B, s0  }
0xc7: {  	[sflag:s0] =	ssyncadd.remote.s32 $0x1  }
0xc8: {  	_ =	sfence.sel $0xFFFF  }
0xc9: {  	[dreg:$0x0] =	wrdreg $0xFFFFFFFF;
	(pc) =	sbr.abs _section_cstart, $3  }
0xca: {  	[dreg:$0x1] =	wrdreg $0xFFFFFFFF  }
0xcb: {  	_ =	task.clear_ibuf [dreg:s10], $0x2FFFF;
	_ =	strace $0x9FFFFFFF  }
0xcc: {  	(tm) =	ssettm $0x7FFFFFFF  }
0xcd: {  	_ =	shalt  }
tec
execute0_lowered:
.L_overlay_start_1:
0x0: {  	(tag) =	ssettag $0x1  }
0x1: {  	s0 =	rddreg [dreg:$0x0]  }
0x2: {  	s1 =	rddreg [dreg:$0x1]  }
0x3: {  	s4 =	rddreg [dreg:$0x2]  }
0x4: {  	s5 =	rddreg [dreg:$0x3]  }
0x5: {  	s6 =	rddreg [dreg:$0x4];
	s2 =	simm.s32 $0x0  }
0x6: {  	s3 =	srdreg.scid;
	s8 =	stileid.u32;
	s11 =	simm.s32 $0x80  }
0x7: {  	s14 =	simm.s32 $0xA;
	s15 =	simm.s32 $0x38;
	s16 =	simm.s32 $0x5100  }
0x8: {  	s18 =	simm.s32 $0x5800;
	s20 =	simm.s32 $0x5F00;
	s22 =	simm.s32 $0x6600  }
0x9: {  	s29 =	simm.s32 $0x7B00;
	s31 =	simm.s32 $0x8200;
	s17 =	simm.s32 $0x3  }
0xa: {  	s19 =	simm.s32 $0x4;
	s21 =	simm.s32 $0x5;
	s23 =	simm.s32 $0x6  }
0xb: {  	s28 =	simm.s32 $0x8;
	s30 =	simm.s32 $0x9;
	[smem:$0x7FF] =	sst s2  }
0xc: {  	s3 =	sand.u32 $0x1, s3;
	s8 =	sshll.u32 s8, $0x8;
	_ =	strace $0x80000047  }
0xd: {  	s7 =	ssub.s32 $0x2, s3;
	s9 =	sshll.u32 s3, $0x7;
	s3 =	sadd.s32 $0x188E00, s0  }
0xe: {  	s0 =	sadd.s32 $0x1EAA00, s0;
	s10 =	sshrl.u32 s7, $0x1;
	s8 =	sor.u32 s9, s8  }
0xf: {  	[dreg:$0x6] =	wrdreg s0;
	s0 =	simm.s32 $0x1;
	s24 =	ssub.s32 s7, s10  }
0x10: {  	s25 =	sshrl.u32 s8, $0x3;
	s26 =	sshll.u32 s8, $0x2;
	s8 =	sshll.u32 s8, $0x3  }
0x11: {  	s10 =	simm.s32 $0xB;
	s1 =	sadd.s32 s1, s25;
	s4 =	sadd.s32 s4, s25  }
0x12: {  	s8 =	sadd.s32 s6, s8;
	s9 =	smax.u32 s24, $0x1;
	s6 =	simm.s32 $0x2100  }
0x13: {  	s24 =	simm.s32 $0x6D00;
	s25 =	simm.s32 $0x7;
	[dreg:$0x7] =	wrdreg s1  }
0x14: {  	[dreg:$0x8] =	wrdreg s4;
	s1 =	sadd.s32 s5, s26;
	s26 =	simm.s32 $0x7400  }
0x15: {  	s4 =	simm.s32 $0x0;
	[dreg:$0x9] =	wrdreg s1;
	s1 =	simm.s32 $0x2  }
.LBB2_1:
0x16: {  	s5 =	rddreg [dreg:$0x7]  }
0x17: {  	[tilespmem:s2], [sflag:$0xB] =	stream.linear.gather [hbm4b:s5+s2], $0x80, $0x38;
	[tilespmem:$0x8900] =	vst v63  }
0x18: {  	_ =	swait.ge [sflag:s10], $0x80  }
0x19: {  	[sflag:s10] =	ssyncset.done $0x0  }
0x1a: {  	s7 =	rddreg [dreg:$0x8];
	[sflag:s10] =	ssyncadd.s32 $0xFFFFFF80  }
0x1b: {  	[tilespmem:s11], [sflag:$0xB] =	stream.linear.gather [hbm4b:s7+s2], $0x80, $0x38;
	[tilespmem:$0x8900] =	vst v63  }
0x1c: {  	_ =	swait.ge [sflag:s10], $0x80  }
0x1d: {  	[sflag:s10] =	ssyncset.done $0x0  }
0x1e: {  	[sflag:s10] =	ssyncadd.s32 $0xFFFFFF80  }
0x1f: {  	[tilespmem:s6], [sflag:$0x9] =	stream.indirect.gather [hbm4b:s3+s11], $0x20, s11, s11, $0xb8;
	[tilespmem:$0x8900] =	vst v63  }
0x20: {  	s13 =	simm.s32 $0x100;
	s12 =	rddreg [dreg:$0x6]  }
0x21: {  	[tilespmem:s13], [sflag:$0xA] =	stream.indirect.gather [hbm4b:s12+s11], $0x40, s2, s11, $0xb8;
	[tilespmem:$0x8900] =	vst v63  }
0x22: {  	_ =	swait.ge [sflag:s14], $0x2000  }
0x23: {  	[sflag:s14] =	ssyncset.done $0x0  }
0x24: {  	[sflag:s14] =	ssyncadd.s32 $0xFFFFE000  }
0x25: {  	[tilespmem:s16], [sflag:$0x1] =	stream.indirect.gather [hbm4b:s3+s15], $0x20, s13, s15, $0xb8;
	[tilespmem:$0x8900] =	vst v63  }
0x26: {  	s7 =	simm.s32 $0x140  }
0x27: {  	[tilespmem:s18], [sflag:$0x2] =	stream.indirect.gather [hbm4b:s3+s15], $0x20, s7, s15, $0xb8;
	[tilespmem:$0x8900] =	vst v63  }
0x28: {  	s12 =	simm.s32 $0x180  }
0x29: {  	[tilespmem:s20], [sflag:$0x3] =	stream.indirect.gather [hbm4b:s3+s15], $0x20, s12, s15, $0xb8;
	[tilespmem:$0x8900] =	vst v63  }
0x2a: {  	s13 =	simm.s32 $0x1C0  }
0x2b: {  	[tilespmem:s22], [sflag:$0x4] =	stream.indirect.gather [hbm4b:s3+s15], $0x20, s13, s15, $0xb8;
	[tilespmem:$0x8900] =	vst v63  }
0x2c: {  	s6 =	simm.s32 $0x200  }
0x2d: {  	[tilespmem:s24], [sflag:$0x5] =	stream.indirect.gather [hbm4b:s3+s15], $0x20, s6, s15, $0xb8;
	[tilespmem:$0x8900] =	vst v63  }
0x2e: {  	s7 =	simm.s32 $0x240  }
0x2f: {  	[tilespmem:s26], [sflag:$0x6] =	stream.indirect.gather [hbm4b:s3+s15], $0x20, s7, s15, $0xb8;
	[tilespmem:$0x8900] =	vst v63  }
0x30: {  	s12 =	simm.s32 $0x280  }
0x31: {  	[tilespmem:s29], [sflag:$0x7] =	stream.indirect.gather [hbm4b:s3+s15], $0x20, s12, s15, $0xb8;
	[tilespmem:$0x8900] =	vst v63  }
0x32: {  	s5 =	simm.s32 $0x0;
	s13 =	simm.s32 $0x2C0  }
0x33: {  	[tilespmem:s31], [sflag:$0x8] =	stream.indirect.gather [hbm4b:s3+s15], $0x20, s13, s15, $0xb8;
	[tilespmem:$0x8900] =	vst v63  }
.LBB2_2:
0x34: {  	_ =	swait.ge [sflag:s0], $0x700  }
0x35: {  	[sflag:s0] =	ssyncset.done $0x0  }
0x36: {  	s6 =	simm.s32 $0x0;
	[sflag:s0] =	ssyncadd.s32 $0xFFFFF900  }
0x37: {  	v0 =	vimm.f32 $0.0e+00;
	v1 =	vld [tilespmem:s6+$0x5110]  }
0x38: {  	s12 =	simm.s32 $0x80;
	v4 =	vimm.f32 $0.0e+00;
	v3 =	vimm.f32 $0.0e+00;
	v2 =	vimm.f32 $0.0e+00;
	v5 =	vld [tilespmem:s6+$0x5100]  }
.LBB2_3:
0x39: {  	_ = 	snop  }
0x3a: {  	p0 =	sne.s32 s12, $0x1880  }
.Ltmp0:
0x3b: {  	_ = 	snop;
	(pc) =	sbr.rel @p0 .LBB2_3-.Ltmp0, $4  }
0x3c: {  	_ = 	snop  }
0x3d: {  	s6 =	sshra.s32 s12, $0x2;
	v6 =	vshll.u32 v1, $0x10;
	v7 =	vand.u32 $0xFFFF0000, v1;
	v8 =	vshll.u32 v5, $0x10  }
0x3e: {  	v1 =	vld [tilespmem:s6+$0x5110];
	v9 =	vand.u32 $0xFFFF0000, v5;
	v0 =	vadd.f32 v7, v0;
	v4 =	vadd.f32 v8, v4  }
0x3f: {  	s12 =	sadd.s32 $0x80, s12;
	v5 =	vld [tilespmem:s6+$0x5100];
	v3 =	vadd.f32 v9, v3;
	v2 =	vadd.f32 v6, v2  }
0x40: {  	_ =	sdelay $0x3  }
0x41: {  	v6 =	vshll.u32 v5, $0x10  }
0x42: {  	s6 =	sshll.u32 s5, $0x9;
	v5 =	vand.u32 $0xFFFF0000, v5;
	v4 =	vadd.f32 v6, v4  }
0x43: {  	s12 =	sand.u32 $0x3FFFFE00, s6;
	v6 =	vshll.u32 v1, $0x10;
	v3 =	vadd.f32 v5, v3  }
0x44: {  	s13 =	sshll.u32 s5, $0x3;
	v1 =	vand.u32 $0xFFFF0000, v1;
	v2 =	vadd.f32 v6, v2;
	[tilespmem:s12+$0x3100] =	vst v4  }
0x45: {  	s7 =	smin.u32 s13, $0x77;
	v0 =	vadd.f32 v1, v0;
	[tilespmem:s12+$0x3110] =	vst v3  }
0x46: {  	s6 =	sshll.u32 s7, $0x6;
	[tilespmem:s12+$0x3120] =	vst v2  }
0x47: {  	s6 =	sadd.s32 $0x300, s6;
	[tilespmem:s12+$0x3130] =	vst v0  }
0x48: {  	[tilespmem:s16], [sflag:$0x1] =	stream.indirect.gather [hbm4b:s3+s15], $0x20, s6, s15, $0xb8;
	[tilespmem:$0x8900] =	vst v63  }
0x49: {  	_ =	swait.ge [sflag:s1], $0x700  }
0x4a: {  	[sflag:s1] =	ssyncset.done $0x0  }
0x4b: {  	s7 =	simm.s32 $0x0;
	[sflag:s1] =	ssyncadd.s32 $0xFFFFF900  }
0x4c: {  	v4 =	vimm.f32 $0.0e+00;
	v1 =	vld [tilespmem:s7+$0x5810]  }
0x4d: {  	v3 =	vimm.f32 $0.0e+00;
	v0 =	vimm.f32 $0.0e+00;
	v2 =	vimm.f32 $0.0e+00;
	s6 =	simm.s32 $0x80;
	v5 =	vld [tilespmem:s7+$0x5800]  }
.LBB2_5:
0x4e: {  	_ = 	snop  }
0x4f: {  	p0 =	sne.s32 s6, $0x1880  }
.Ltmp1:
0x50: {  	_ = 	snop;
	(pc) =	sbr.rel @p0 .LBB2_5-.Ltmp1, $4  }
0x51: {  	_ = 	snop  }
0x52: {  	s7 =	sshra.s32 s6, $0x2;
	v6 =	vshll.u32 v1, $0x10;
	v7 =	vand.u32 $0xFFFF0000, v1;
	v8 =	vshll.u32 v5, $0x10  }
0x53: {  	v1 =	vld [tilespmem:s7+$0x5810];
	v9 =	vand.u32 $0xFFFF0000, v5;
	v0 =	vadd.f32 v7, v0;
	v4 =	vadd.f32 v8, v4  }
0x54: {  	s6 =	sadd.s32 $0x80, s6;
	v5 =	vld [tilespmem:s7+$0x5800];
	v3 =	vadd.f32 v9, v3;
	v2 =	vadd.f32 v6, v2  }
0x55: {  	_ =	sdelay $0x3  }
0x56: {  	v6 =	vshll.u32 v5, $0x10  }
0x57: {  	v5 =	vand.u32 $0xFFFF0000, v5;
	v4 =	vadd.f32 v6, v4  }
0x58: {  	v6 =	vshll.u32 v1, $0x10;
	v3 =	vadd.f32 v5, v3  }
0x59: {  	v1 =	vand.u32 $0xFFFF0000, v1;
	v2 =	vadd.f32 v6, v2;
	[tilespmem:s12+$0x3140] =	vst v4  }
0x5a: {  	s6 =	smin.u32 s13, $0x76;
	v0 =	vadd.f32 v1, v0;
	[tilespmem:s12+$0x3150] =	vst v3  }
0x5b: {  	s6 =	sshll.u32 s6, $0x6;
	[tilespmem:s12+$0x3160] =	vst v2  }
0x5c: {  	s6 =	sadd.s32 $0x340, s6;
	[tilespmem:s12+$0x3170] =	vst v0  }
0x5d: {  	[tilespmem:s18], [sflag:$0x2] =	stream.indirect.gather [hbm4b:s3+s15], $0x20, s6, s15, $0xb8;
	[tilespmem:$0x8900] =	vst v63  }
0x5e: {  	_ =	swait.ge [sflag:s17], $0x700  }
0x5f: {  	[sflag:s17] =	ssyncset.done $0x0  }
0x60: {  	s7 =	simm.s32 $0x0;
	[sflag:s17] =	ssyncadd.s32 $0xFFFFF900  }
0x61: {  	v4 =	vimm.f32 $0.0e+00;
	v1 =	vld [tilespmem:s7+$0x5F10]  }
0x62: {  	v3 =	vimm.f32 $0.0e+00;
	v0 =	vimm.f32 $0.0e+00;
	v2 =	vimm.f32 $0.0e+00;
	s6 =	simm.s32 $0x80;
	v5 =	vld [tilespmem:s7+$0x5F00]  }
.LBB2_7:
0x63: {  	_ = 	snop  }
0x64: {  	p0 =	sne.s32 s6, $0x1880  }
.Ltmp2:
0x65: {  	_ = 	snop;
	(pc) =	sbr.rel @p0 .LBB2_7-.Ltmp2, $4  }
0x66: {  	_ = 	snop  }
0x67: {  	s7 =	sshra.s32 s6, $0x2;
	v6 =	vshll.u32 v1, $0x10;
	v7 =	vand.u32 $0xFFFF0000, v1;
	v8 =	vshll.u32 v5, $0x10  }
0x68: {  	v1 =	vld [tilespmem:s7+$0x5F10];
	v9 =	vand.u32 $0xFFFF0000, v5;
	v0 =	vadd.f32 v7, v0;
	v4 =	vadd.f32 v8, v4  }
0x69: {  	s6 =	sadd.s32 $0x80, s6;
	v5 =	vld [tilespmem:s7+$0x5F00];
	v3 =	vadd.f32 v9, v3;
	v2 =	vadd.f32 v6, v2  }
0x6a: {  	_ =	sdelay $0x3  }
0x6b: {  	v6 =	vshll.u32 v5, $0x10  }
0x6c: {  	v5 =	vand.u32 $0xFFFF0000, v5;
	v4 =	vadd.f32 v6, v4  }
0x6d: {  	v6 =	vshll.u32 v1, $0x10;
	v3 =	vadd.f32 v5, v3  }
0x6e: {  	v1 =	vand.u32 $0xFFFF0000, v1;
	v2 =	vadd.f32 v6, v2;
	[tilespmem:s12+$0x3180] =	vst v4  }
0x6f: {  	s6 =	smin.u32 s13, $0x75;
	v0 =	vadd.f32 v1, v0;
	[tilespmem:s12+$0x3190] =	vst v3  }
0x70: {  	s6 =	sshll.u32 s6, $0x6;
	[tilespmem:s12+$0x31A0] =	vst v2  }
0x71: {  	s6 =	sadd.s32 $0x380, s6;
	[tilespmem:s12+$0x31B0] =	vst v0  }
0x72: {  	[tilespmem:s20], [sflag:$0x3] =	stream.indirect.gather [hbm4b:s3+s15], $0x20, s6, s15, $0xb8;
	[tilespmem:$0x8900] =	vst v63  }
0x73: {  	_ =	swait.ge [sflag:s19], $0x700  }
0x74: {  	[sflag:s19] =	ssyncset.done $0x0  }
0x75: {  	s7 =	simm.s32 $0x0;
	[sflag:s19] =	ssyncadd.s32 $0xFFFFF900  }
0x76: {  	v4 =	vimm.f32 $0.0e+00;
	v1 =	vld [tilespmem:s7+$0x6610]  }
0x77: {  	v3 =	vimm.f32 $0.0e+00;
	v0 =	vimm.f32 $0.0e+00;
	v2 =	vimm.f32 $0.0e+00;
	s6 =	simm.s32 $0x80;
	v5 =	vld [tilespmem:s7+$0x6600]  }
.LBB2_9:
0x78: {  	_ = 	snop  }
0x79: {  	p0 =	sne.s32 s6, $0x1880  }
.Ltmp3:
0x7a: {  	_ = 	snop;
	(pc) =	sbr.rel @p0 .LBB2_9-.Ltmp3, $4  }
0x7b: {  	_ = 	snop  }
0x7c: {  	s7 =	sshra.s32 s6, $0x2;
	v6 =	vshll.u32 v1, $0x10;
	v7 =	vand.u32 $0xFFFF0000, v1;
	v8 =	vshll.u32 v5, $0x10  }
0x7d: {  	v1 =	vld [tilespmem:s7+$0x6610];
	v9 =	vand.u32 $0xFFFF0000, v5;
	v0 =	vadd.f32 v7, v0;
	v4 =	vadd.f32 v8, v4  }
0x7e: {  	s6 =	sadd.s32 $0x80, s6;
	v5 =	vld [tilespmem:s7+$0x6600];
	v3 =	vadd.f32 v9, v3;
	v2 =	vadd.f32 v6, v2  }
0x7f: {  	_ =	sdelay $0x3  }
0x80: {  	v6 =	vshll.u32 v5, $0x10  }
0x81: {  	v5 =	vand.u32 $0xFFFF0000, v5;
	v4 =	vadd.f32 v6, v4  }
0x82: {  	v6 =	vshll.u32 v1, $0x10;
	v3 =	vadd.f32 v5, v3  }
0x83: {  	v1 =	vand.u32 $0xFFFF0000, v1;
	v2 =	vadd.f32 v6, v2;
	[tilespmem:s12+$0x31C0] =	vst v4  }
0x84: {  	s6 =	smin.u32 s13, $0x74;
	v0 =	vadd.f32 v1, v0;
	[tilespmem:s12+$0x31D0] =	vst v3  }
0x85: {  	s6 =	sshll.u32 s6, $0x6;
	[tilespmem:s12+$0x31E0] =	vst v2  }
0x86: {  	s6 =	sadd.s32 $0x3C0, s6;
	[tilespmem:s12+$0x31F0] =	vst v0  }
0x87: {  	[tilespmem:s22], [sflag:$0x4] =	stream.indirect.gather [hbm4b:s3+s15], $0x20, s6, s15, $0xb8;
	[tilespmem:$0x8900] =	vst v63  }
0x88: {  	_ =	swait.ge [sflag:s21], $0x700  }
0x89: {  	[sflag:s21] =	ssyncset.done $0x0  }
0x8a: {  	s7 =	simm.s32 $0x0;
	[sflag:s21] =	ssyncadd.s32 $0xFFFFF900  }
0x8b: {  	v4 =	vimm.f32 $0.0e+00;
	v1 =	vld [tilespmem:s7+$0x6D10]  }
0x8c: {  	v3 =	vimm.f32 $0.0e+00;
	v0 =	vimm.f32 $0.0e+00;
	v2 =	vimm.f32 $0.0e+00;
	s6 =	simm.s32 $0x80;
	v5 =	vld [tilespmem:s7+$0x6D00]  }
.LBB2_11:
0x8d: {  	_ = 	snop  }
0x8e: {  	p0 =	sne.s32 s6, $0x1880  }
.Ltmp4:
0x8f: {  	_ = 	snop;
	(pc) =	sbr.rel @p0 .LBB2_11-.Ltmp4, $4  }
0x90: {  	_ = 	snop  }
0x91: {  	s7 =	sshra.s32 s6, $0x2;
	v6 =	vshll.u32 v1, $0x10;
	v7 =	vand.u32 $0xFFFF0000, v1;
	v8 =	vshll.u32 v5, $0x10  }
0x92: {  	v1 =	vld [tilespmem:s7+$0x6D10];
	v9 =	vand.u32 $0xFFFF0000, v5;
	v0 =	vadd.f32 v7, v0;
	v4 =	vadd.f32 v8, v4  }
0x93: {  	s6 =	sadd.s32 $0x80, s6;
	v5 =	vld [tilespmem:s7+$0x6D00];
	v3 =	vadd.f32 v9, v3;
	v2 =	vadd.f32 v6, v2  }
0x94: {  	_ =	sdelay $0x3  }
0x95: {  	v6 =	vshll.u32 v5, $0x10  }
0x96: {  	v5 =	vand.u32 $0xFFFF0000, v5;
	v4 =	vadd.f32 v6, v4  }
0x97: {  	v6 =	vshll.u32 v1, $0x10;
	v3 =	vadd.f32 v5, v3  }
0x98: {  	v1 =	vand.u32 $0xFFFF0000, v1;
	v2 =	vadd.f32 v6, v2;
	[tilespmem:s12+$0x3200] =	vst v4  }
0x99: {  	s6 =	smin.u32 s13, $0x73;
	v0 =	vadd.f32 v1, v0;
	[tilespmem:s12+$0x3210] =	vst v3  }
0x9a: {  	s6 =	sshll.u32 s6, $0x6;
	[tilespmem:s12+$0x3220] =	vst v2  }
0x9b: {  	s6 =	sadd.s32 $0x400, s6;
	[tilespmem:s12+$0x3230] =	vst v0  }
0x9c: {  	[tilespmem:s24], [sflag:$0x5] =	stream.indirect.gather [hbm4b:s3+s15], $0x20, s6, s15, $0xb8;
	[tilespmem:$0x8900] =	vst v63  }
0x9d: {  	_ =	swait.ge [sflag:s23], $0x700  }
0x9e: {  	[sflag:s23] =	ssyncset.done $0x0  }
0x9f: {  	s7 =	simm.s32 $0x0;
	[sflag:s23] =	ssyncadd.s32 $0xFFFFF900  }
0xa0: {  	v4 =	vimm.f32 $0.0e+00;
	v1 =	vld [tilespmem:s7+$0x7410]  }
0xa1: {  	v3 =	vimm.f32 $0.0e+00;
	v0 =	vimm.f32 $0.0e+00;
	v2 =	vimm.f32 $0.0e+00;
	s6 =	simm.s32 $0x80;
	v5 =	vld [tilespmem:s7+$0x7400]  }
.LBB2_13:
0xa2: {  	_ = 	snop  }
0xa3: {  	p0 =	sne.s32 s6, $0x1880  }
.Ltmp5:
0xa4: {  	_ = 	snop;
	(pc) =	sbr.rel @p0 .LBB2_13-.Ltmp5, $4  }
0xa5: {  	_ = 	snop  }
0xa6: {  	s7 =	sshra.s32 s6, $0x2;
	v6 =	vshll.u32 v1, $0x10;
	v7 =	vand.u32 $0xFFFF0000, v1;
	v8 =	vshll.u32 v5, $0x10  }
0xa7: {  	v1 =	vld [tilespmem:s7+$0x7410];
	v9 =	vand.u32 $0xFFFF0000, v5;
	v0 =	vadd.f32 v7, v0;
	v4 =	vadd.f32 v8, v4  }
0xa8: {  	s6 =	sadd.s32 $0x80, s6;
	v5 =	vld [tilespmem:s7+$0x7400];
	v3 =	vadd.f32 v9, v3;
	v2 =	vadd.f32 v6, v2  }
0xa9: {  	_ =	sdelay $0x3  }
0xaa: {  	v6 =	vshll.u32 v5, $0x10  }
0xab: {  	v5 =	vand.u32 $0xFFFF0000, v5;
	v4 =	vadd.f32 v6, v4  }
0xac: {  	v6 =	vshll.u32 v1, $0x10;
	v3 =	vadd.f32 v5, v3  }
0xad: {  	v1 =	vand.u32 $0xFFFF0000, v1;
	v2 =	vadd.f32 v6, v2;
	[tilespmem:s12+$0x3240] =	vst v4  }
0xae: {  	s6 =	smin.u32 s13, $0x72;
	v0 =	vadd.f32 v1, v0;
	[tilespmem:s12+$0x3250] =	vst v3  }
0xaf: {  	s6 =	sshll.u32 s6, $0x6;
	[tilespmem:s12+$0x3260] =	vst v2  }
0xb0: {  	s6 =	sadd.s32 $0x440, s6;
	[tilespmem:s12+$0x3270] =	vst v0  }
0xb1: {  	[tilespmem:s26], [sflag:$0x6] =	stream.indirect.gather [hbm4b:s3+s15], $0x20, s6, s15, $0xb8;
	[tilespmem:$0x8900] =	vst v63  }
0xb2: {  	_ =	swait.ge [sflag:s25], $0x700  }
0xb3: {  	[sflag:s25] =	ssyncset.done $0x0  }
0xb4: {  	s7 =	simm.s32 $0x0;
	[sflag:s25] =	ssyncadd.s32 $0xFFFFF900  }
0xb5: {  	v4 =	vimm.f32 $0.0e+00;
	v1 =	vld [tilespmem:s7+$0x7B10]  }
0xb6: {  	v3 =	vimm.f32 $0.0e+00;
	v0 =	vimm.f32 $0.0e+00;
	v2 =	vimm.f32 $0.0e+00;
	s6 =	simm.s32 $0x80;
	v5 =	vld [tilespmem:s7+$0x7B00]  }
.LBB2_15:
0xb7: {  	_ = 	snop  }
0xb8: {  	p0 =	sne.s32 s6, $0x1880  }
.Ltmp6:
0xb9: {  	_ = 	snop;
	(pc) =	sbr.rel @p0 .LBB2_15-.Ltmp6, $4  }
0xba: {  	_ = 	snop  }
0xbb: {  	s7 =	sshra.s32 s6, $0x2;
	v6 =	vshll.u32 v1, $0x10;
	v7 =	vand.u32 $0xFFFF0000, v1;
	v8 =	vshll.u32 v5, $0x10  }
0xbc: {  	v1 =	vld [tilespmem:s7+$0x7B10];
	v9 =	vand.u32 $0xFFFF0000, v5;
	v0 =	vadd.f32 v7, v0;
	v4 =	vadd.f32 v8, v4  }
0xbd: {  	s6 =	sadd.s32 $0x80, s6;
	v5 =	vld [tilespmem:s7+$0x7B00];
	v3 =	vadd.f32 v9, v3;
	v2 =	vadd.f32 v6, v2  }
0xbe: {  	_ =	sdelay $0x3  }
0xbf: {  	v6 =	vshll.u32 v5, $0x10  }
0xc0: {  	v5 =	vand.u32 $0xFFFF0000, v5;
	v4 =	vadd.f32 v6, v4  }
0xc1: {  	v6 =	vshll.u32 v1, $0x10;
	v3 =	vadd.f32 v5, v3  }
0xc2: {  	v1 =	vand.u32 $0xFFFF0000, v1;
	v2 =	vadd.f32 v6, v2;
	[tilespmem:s12+$0x3280] =	vst v4  }
0xc3: {  	s6 =	smin.u32 s13, $0x71;
	v0 =	vadd.f32 v1, v0;
	[tilespmem:s12+$0x3290] =	vst v3  }
0xc4: {  	s6 =	sshll.u32 s6, $0x6;
	[tilespmem:s12+$0x32A0] =	vst v2  }
0xc5: {  	s6 =	sadd.s32 $0x480, s6;
	[tilespmem:s12+$0x32B0] =	vst v0  }
0xc6: {  	[tilespmem:s29], [sflag:$0x7] =	stream.indirect.gather [hbm4b:s3+s15], $0x20, s6, s15, $0xb8;
	[tilespmem:$0x8900] =	vst v63  }
0xc7: {  	_ =	swait.ge [sflag:s28], $0x700  }
0xc8: {  	[sflag:s28] =	ssyncset.done $0x0  }
0xc9: {  	s7 =	simm.s32 $0x0;
	[sflag:s28] =	ssyncadd.s32 $0xFFFFF900  }
0xca: {  	v4 =	vimm.f32 $0.0e+00;
	v1 =	vld [tilespmem:s7+$0x8210]  }
0xcb: {  	v3 =	vimm.f32 $0.0e+00;
	v0 =	vimm.f32 $0.0e+00;
	v2 =	vimm.f32 $0.0e+00;
	s6 =	simm.s32 $0x80;
	v5 =	vld [tilespmem:s7+$0x8200]  }
.LBB2_17:
0xcc: {  	_ = 	snop  }
0xcd: {  	p0 =	sne.s32 s6, $0x1880  }
.Ltmp7:
0xce: {  	_ = 	snop;
	(pc) =	sbr.rel @p0 .LBB2_17-.Ltmp7, $4  }
0xcf: {  	_ = 	snop  }
0xd0: {  	s7 =	sshra.s32 s6, $0x2;
	v6 =	vshll.u32 v1, $0x10;
	v7 =	vand.u32 $0xFFFF0000, v1;
	v8 =	vshll.u32 v5, $0x10  }
0xd1: {  	v1 =	vld [tilespmem:s7+$0x8210];
	v9 =	vand.u32 $0xFFFF0000, v5;
	v0 =	vadd.f32 v7, v0;
	v4 =	vadd.f32 v8, v4  }
0xd2: {  	s6 =	sadd.s32 $0x80, s6;
	v5 =	vld [tilespmem:s7+$0x8200];
	v3 =	vadd.f32 v9, v3;
	v2 =	vadd.f32 v6, v2  }
0xd3: {  	_ =	sdelay $0x2  }
0xd4: {  	v62 =	vshll.u32 v1, $0x10  }
0xd5: {  	s5 =	sadd.s32 $0x1, s5;
	v63 =	vand.u32 $0xFFFF0000, v1;
	v2 =	vadd.f32 v62, v2  }
0xd6: {  	p0 =	sne.s32 s5, $0x10;
	v6 =	vshll.u32 v5, $0x10;
	v0 =	vadd.f32 v63, v0  }
.Ltmp8:
0xd7: {  	v61 =	vand.u32 $0xFFFF0000, v5;
	v4 =	vadd.f32 v6, v4;
	[tilespmem:s12+$0x32E0] =	vst v2;
	(pc) =	sbr.rel @p0 .LBB2_2-.Ltmp8, $4  }
0xd8: {  	s6 =	smin.u32 s13, $0x70;
	v3 =	vadd.f32 v61, v3;
	[tilespmem:s12+$0x32F0] =	vst v0  }
0xd9: {  	s6 =	sshll.u32 s6, $0x6;
	[tilespmem:s12+$0x32C0] =	vst v4  }
0xda: {  	s6 =	sadd.s32 $0x4C0, s6;
	[tilespmem:s12+$0x32D0] =	vst v3  }
0xdb: {  	[tilespmem:s31], [sflag:$0x8] =	stream.indirect.gather [hbm4b:s3+s15], $0x20, s6, s15, $0xb8;
	[tilespmem:$0x8900] =	vst v63  }
0xdc: {  	_ =	swait.ge [sflag:s0], $0x700  }
0xdd: {  	[sflag:s0] =	ssyncset.done $0x0  }
0xde: {  	[sflag:s0] =	ssyncadd.s32 $0xFFFFF900  }
0xdf: {  	_ =	swait.ge [sflag:s1], $0x700  }
0xe0: {  	[sflag:s1] =	ssyncset.done $0x0  }
0xe1: {  	[sflag:s1] =	ssyncadd.s32 $0xFFFFF900  }
0xe2: {  	_ =	swait.ge [sflag:s17], $0x700  }
0xe3: {  	[sflag:s17] =	ssyncset.done $0x0  }
0xe4: {  	[sflag:s17] =	ssyncadd.s32 $0xFFFFF900  }
0xe5: {  	_ =	swait.ge [sflag:s19], $0x700  }
0xe6: {  	[sflag:s19] =	ssyncset.done $0x0  }
0xe7: {  	[sflag:s19] =	ssyncadd.s32 $0xFFFFF900  }
0xe8: {  	_ =	swait.ge [sflag:s21], $0x700  }
0xe9: {  	[sflag:s21] =	ssyncset.done $0x0  }
0xea: {  	[sflag:s21] =	ssyncadd.s32 $0xFFFFF900  }
0xeb: {  	_ =	swait.ge [sflag:s23], $0x700  }
0xec: {  	[sflag:s23] =	ssyncset.done $0x0  }
0xed: {  	[sflag:s23] =	ssyncadd.s32 $0xFFFFF900  }
0xee: {  	_ =	swait.ge [sflag:s25], $0x700  }
0xef: {  	[sflag:s25] =	ssyncset.done $0x0  }
0xf0: {  	[sflag:s25] =	ssyncadd.s32 $0xFFFFF900  }
0xf1: {  	_ =	swait.ge [sflag:s28], $0x700  }
0xf2: {  	[sflag:s28] =	ssyncset.done $0x0  }
0xf3: {  	[sflag:s28] =	ssyncadd.s32 $0xFFFFF900  }
0xf4: {  	_ =	swait.ge [sflag:s30], $0x1000  }
0xf5: {  	[sflag:s30] =	ssyncset.done $0x0  }
0xf6: {  	s6 =	simm.s32 $0x2100;
	s5 =	rddreg [dreg:$0x9];
	[sflag:s30] =	ssyncadd.s32 $0xFFFFF000  }
0xf7: {  	[hbm4b:s5+s2] =	stream.linear.scatter [tilespmem:s6], [sflag:$0xB], $0x1000, $0x38;
	[tilespmem:$0x8900] =	vst v63  }
0xf8: {  	s4 =	sadd.s32 $0x1, s4;
	_ =	swait.ge [sflag:s10], $0x1000  }
0xf9: {  	p0 =	sne.s32 s4, s9;
	[sflag:s10] =	ssyncset.done $0x0  }
.Ltmp9:
0xfa: {  	s13 =	simm.s32 $0x3100;
	[sflag:s10] =	ssyncadd.s32 $0xFFFFF000;
	(pc) =	sbr.rel @p0 .LBB2_1-.Ltmp9, $4  }
0xfb: {  	[hbm4b:s8+s2] =	stream.linear.scatter [tilespmem:s13], [sflag:$0xB], $0x2000, $0x38;
	[tilespmem:$0x8900] =	vst v63  }
0xfc: {  	_ =	swait.ge [sflag:s10], $0x2000  }
0xfd: {  	[sflag:s10] =	ssyncset.done $0x0  }
0xfe: {  	[sflag:s10] =	ssyncadd.s32 $0xFFFFE000  }
0xff: {  	_ =	sfence.sel $0x180000  }
0x100: {  	[bflag:$0x0] =	sbarrier.arrive $0xFFFF  }
0x101: {  	_ =	strace $0x90000047  }
0x102: {  	s0 =	stileid.u32;
	[bflag:$0x2] =	sbarrier.arrive $0xFFFF  }
0x103: {  	p0 =	sne.s32 s0, $0x0;
	s0 =	rddreg [dreg:$0x5]  }
0x104: {  	s0 =	sadd.s32 @!p0 $0x100000, s0  }
0x105: {  	[sflag:s0] =	ssyncadd.tile.s32 @!p0 $0x1;
	_ =	shalt  }
.Lfunc_end2:
_tile_overlayer_lowered:
.L_overlay_start_2:
0x106: {  	(tag) =	ssettag $0x2  }
0x107: {  	s0 =	rddreg [dreg:$0x0];
	s2 =	stileid.u32  }
0x108: {  	s1 =	rddreg [dreg:$0x1];
	p0 =	sne.s32 s2, $0x0  }
0x109: {  	s3 =	rddreg [dreg:$0x2];
	[bflag:$0x3] =	sbarrier.arrive $0xFFFF;
	s2 =	simm.s32 @!p0 $0x1C0B  }
0x10a: {  	[timem:s3], [sflag:s2] =	dma.local @!p0 [hbm:s0], s1  }
0x10b: {  	s0 =	simm.s32 @!p0 $0xB  }
0x10c: {  	_ =	swait.ge @!p0 [sflag:s0], s1  }
0x10d: {  	s1 =	ssub.s32 @!p0 $0x0, s1;
	[sflag:s0] =	ssyncset.done @!p0 $0x0  }
0x10e: {  	[sflag:s0] =	ssyncadd.s32 @!p0 s1  }
0x10f: {  	[bflag:$0x3] =	sbarrier.arrive $0xFFFF  }
0x110: {  	_ =	shalt  }

</sc_bundles>
